<compile_context>
chip_gen: v7x
topology: tpu7x:2x2x1
jax: 0.10.2.dev20260603
libtpu: 0.0.44.dev20260713+nightly
codegen_flags: <defaults>
</compile_context>

<pallas_src>
import functools

import jax
import jax.numpy as jnp
from jax import lax
from jax.experimental import pallas as pl
from jax.experimental.pallas import tpu as pltpu
from jax.experimental.pallas import tpu_sc as plsc

N = 10000
D = 128
DH = D // 2
E = 320000

NC = 2
NS = 16
NW = NC * NS
CHUNK = 128
CPT = 80
NBUF = 5
PREF = 3
EPT = CPT * CHUNK
E_PAD = EPT * NW
N_PAD = 10240
RPT = N_PAD // NS


def _sc_segment_sum(x0, x1, dst_r, src_r, zrows, zcnt, ones_c):
  mesh = plsc.VectorSubcoreMesh(core_axis_name="c", subcore_axis_name="s")

  @functools.partial(
      pl.kernel,
      out_type=[
          jax.ShapeDtypeStruct((NC, 2, N_PAD, DH), jnp.float32),
          jax.ShapeDtypeStruct((NC, N_PAD, 16), jnp.float32),
      ],
      mesh=mesh,
      compiler_params=pltpu.CompilerParams(use_tc_tiling_on_sc=False),
      scratch_types=[
          pltpu.VMEM((CPT, CHUNK), jnp.int32),
          pltpu.VMEM((CPT, CHUNK), jnp.int32),
          pltpu.VMEM((NBUF, CHUNK, DH), jnp.float32),
          pltpu.VMEM((CHUNK, 16), jnp.float32),
          pltpu.VMEM_SHARED((N_PAD, DH), jnp.float32),
          pltpu.VMEM_SHARED((N_PAD, 16), jnp.float32),
      ] + [pltpu.SemaphoreType.DMA] * (3 * NBUF),
  )
  def sc_kernel(x0_hbm, x1_hbm, dst_hbm, src_hbm, zr_hbm, zc_hbm, ones_hbm,
                sum_out, cnt_out,
                dst_v, src_v, rows_v, ones_v, acc_sh, cnt_sh, *sems):
    g_sems = sems[:NBUF]
    s_sems = sems[NBUF:2 * NBUF]
    c_sems = sems[2 * NBUF:]
    cid = lax.axis_index("c")
    sid = lax.axis_index("s")
    wid = sid * NC + cid
    r0 = sid * RPT

    pltpu.sync_copy(dst_hbm.at[wid], dst_v)
    pltpu.sync_copy(src_hbm.at[wid], src_v)
    pltpu.sync_copy(ones_hbm, ones_v)

    for h, xh_hbm in ((0, x0_hbm), (1, x1_hbm)):
      pltpu.sync_copy(zr_hbm, acc_sh.at[pl.ds(r0, RPT)])
      if h == 0:
        pltpu.sync_copy(zc_hbm, cnt_sh.at[pl.ds(r0, RPT)])
      plsc.subcore_barrier()

      for b in range(PREF):
        pltpu.async_copy(xh_hbm.at[src_v.at[b]], rows_v.at[b], g_sems[b])

      def body(g, carry):
        for b in range(NBUF):
          j = g * NBUF + b
          jp = j + PREF
          bp = (b + PREF) % NBUF

          @pl.when(jp < CPT)
          def _():
            @pl.when(jp >= NBUF)
            def _():
              pltpu.make_async_copy(rows_v.at[bp], acc_sh.at[dst_v.at[0]],
                                    s_sems[bp]).wait()

            pltpu.async_copy(xh_hbm.at[src_v.at[jp]], rows_v.at[bp],
                             g_sems[bp])

          pltpu.make_async_copy(xh_hbm.at[src_v.at[j]],
                                rows_v.at[b], g_sems[b]).wait()
          pltpu.async_copy(rows_v.at[b], acc_sh.at[dst_v.at[j]], s_sems[b],
                           add=True)
          if h == 0:
            @pl.when(j >= NBUF)
            def _():
              pltpu.make_async_copy(ones_v, cnt_sh.at[dst_v.at[0]],
                                    c_sems[b]).wait()

            pltpu.async_copy(ones_v, cnt_sh.at[dst_v.at[j]], c_sems[b],
                             add=True)
        return carry

      lax.fori_loop(0, CPT // NBUF, body, 0)

      for b in range(NBUF):
        pltpu.make_async_copy(rows_v.at[b], acc_sh.at[dst_v.at[0]],
                              s_sems[b]).wait()
        if h == 0:
          pltpu.make_async_copy(ones_v, cnt_sh.at[dst_v.at[0]],
                                c_sems[b]).wait()
      plsc.subcore_barrier()

      pltpu.sync_copy(acc_sh.at[pl.ds(r0, RPT)],
                      sum_out.at[cid, h, pl.ds(r0, RPT)])
      if h == 0:
        pltpu.sync_copy(cnt_sh.at[pl.ds(r0, RPT)],
                        cnt_out.at[cid, pl.ds(r0, RPT)])
        plsc.subcore_barrier()

  return sc_kernel(x0, x1, dst_r, src_r, zrows, zcnt, ones_c)


def _tc_combine(x, psum, pcnt, ws_t, wn_t, bs, bn):
  blk = 1000

  def body(x_ref, p_ref, c_ref, ws_ref, wn_ref, bs_ref, bn_ref, o_ref):
    xb = x_ref[...]
    s = jnp.concatenate(
        [p_ref[0, 0] + p_ref[1, 0], p_ref[0, 1] + p_ref[1, 1]], axis=-1)
    ct = c_ref[0, :, 0] + c_ref[1, :, 0]
    mean = s / jnp.maximum(ct, 1.0)[:, None]
    nei = jnp.dot(mean, wn_ref[...], preferred_element_type=jnp.float32)
    nei = nei + bn_ref[...]
    sx = jnp.dot(xb, ws_ref[...], preferred_element_type=jnp.float32)
    sx = sx + bs_ref[...]
    o_ref[...] = jnp.maximum(sx + jnp.where(ct[:, None] > 0, nei, 0.0), 0.0)

  return pl.pallas_call(
      body,
      grid=(N // blk,),
      in_specs=[
          pl.BlockSpec((blk, D), lambda i: (i, 0)),
          pl.BlockSpec((NC, 2, blk, DH), lambda i: (0, 0, i, 0)),
          pl.BlockSpec((NC, blk, 16), lambda i: (0, i, 0)),
          pl.BlockSpec((D, D), lambda i: (0, 0)),
          pl.BlockSpec((D, D), lambda i: (0, 0)),
          pl.BlockSpec((1, D), lambda i: (0, 0)),
          pl.BlockSpec((1, D), lambda i: (0, 0)),
      ],
      out_specs=pl.BlockSpec((blk, D), lambda i: (i, 0)),
      out_shape=jax.ShapeDtypeStruct((N, D), jnp.float32),
  )(x, psum, pcnt, ws_t, wn_t, bs, bn)


def kernel(x, edge_index, W_self, b_self, W_nei, b_nei):
  dst = edge_index[0]
  src = edge_index[1]
  pad = E_PAD - E
  fill = jnp.arange(pad, dtype=jnp.int32)
  dst_p = jnp.concatenate([dst, N + fill % (N_PAD - N)])
  src_p = jnp.concatenate([src, fill % N])
  dst_r = dst_p.reshape(NW, CPT, CHUNK)
  src_r = src_p.reshape(NW, CPT, CHUNK)
  x0 = x[:, :DH]
  x1 = x[:, DH:]
  zrows = jnp.zeros((RPT, DH), jnp.float32)
  zcnt = jnp.zeros((RPT, 16), jnp.float32)
  ones_c = jnp.ones((CHUNK, 16), jnp.float32)
  psum, pcnt = _sc_segment_sum(x0, x1, dst_r, src_r, zrows, zcnt, ones_c)
  return _tc_combine(x, psum, pcnt, W_self.T, W_nei.T,
                     b_self[None, :], b_nei[None, :])

# --- scband reference (transcript-rebuilt; emitter-appended) ---
"""Pipeline reference for scband-simple-refiner-24541443129997 (READ-ONLY COPY).

The authoritative reference and input builder live on the scoring server;
editing this copy changes nothing except your own understanding.
"""

import jax, jax.numpy as jnp
import numpy as np

N = 10000
D = 128
E = 320000

def setup_inputs(seed: int = 0) -> dict:
    key = jax.random.key(seed)
    k1, k2, k3, k4, k5 = jax.random.split(key, 5)
    x = jax.random.normal(k1, (N, D), dtype=jnp.float32)
    edge_index = jax.random.randint(k2, (2, E), 0, N, dtype=jnp.int32)
    # lin_self: weight initialized with eye_, bias with default Linear uniform init
    W_self = jnp.eye(D, dtype=jnp.float32)
    bound = 1.0 / np.sqrt(D)
    b_self = jax.random.uniform(k3, (D,), minval=-bound, maxval=bound, dtype=jnp.float32)
    # lin_nei: xavier_uniform weight, default bias
    limit = np.sqrt(6.0 / (D + D))
    W_nei = jax.random.uniform(k4, (D, D), minval=-limit, maxval=limit, dtype=jnp.float32)
    b_nei = jax.random.uniform(k5, (D,), minval=-bound, maxval=bound, dtype=jnp.float32)
    return {"x": x, "edge_index": edge_index, "W_self": W_self, "b_self": b_self, "W_nei": W_nei, "b_nei": b_nei}

def reference(x, edge_index, W_self, b_self, W_nei, b_nei):
    # adj list represented as edge_index: edge_index[0]=dst node i, edge_index[1]=src neighbor
    dst = edge_index[0]
    src = edge_index[1]
    n = x.shape[0]
    # self_x = lin_self(x)
    self_x = x @ W_self.T + b_self
    # per-node mean of neighbor features (gather + segment-sum / counts)
    nei_sum = jax.ops.segment_sum(x[src], dst, num_segments=n)
    counts = jax.ops.segment_sum(jnp.ones((src.shape[0],), dtype=x.dtype), dst, num_segments=n)
    nei_mean = nei_sum / jnp.maximum(counts, 1.0)[:, None]
    nei_lin = nei_mean @ W_nei.T + b_nei
    # nodes with no neighbors keep nei_acc = 0 (the loop skips them entirely)
    nei_acc = jnp.where(counts[:, None] > 0, nei_lin, jnp.zeros_like(nei_lin))
    return jax.nn.relu(self_x + nei_acc)

if __name__ == "__main__":
    import jax
    _d = setup_inputs()
    print(jax.jit(kernel)(*tuple(_d.values())))

</pallas_src>

<mosaic_0001>
#map = affine_map<(d0, d1) -> (0, 0)>
#map1 = affine_map<(d0, d1) -> (0, 0, 0)>
#map2 = affine_map<(d0, d1) -> (0, 0, 0, 0)>
module attributes {stable_mosaic.version = 14 : i64} {
  func.func @sc_kernel(%arg0: i32, %arg1: i32, %arg2: memref<10000x64xf32, #tpu.memory_space<hbm>>, %arg3: memref<10000x64xf32, #tpu.memory_space<hbm>>, %arg4: memref<32x80x128xi32, #tpu.memory_space<hbm>>, %arg5: memref<32x80x128xi32, #tpu.memory_space<hbm>>, %arg6: memref<640x64xf32, #tpu.memory_space<hbm>>, %arg7: memref<640x16xf32, #tpu.memory_space<hbm>>, %arg8: memref<128x16xf32, #tpu.memory_space<hbm>>, %arg9: memref<2x2x10240x64xf32, #tpu.memory_space<hbm>>, %arg10: memref<2x10240x16xf32, #tpu.memory_space<hbm>>, %arg11: memref<80x128xi32, #tpu.memory_space<vmem>>, %arg12: memref<80x128xi32, #tpu.memory_space<vmem>>, %arg13: memref<5x128x64xf32, #tpu.memory_space<vmem>>, %arg14: memref<128x16xf32, #tpu.memory_space<vmem>>, %arg15: memref<10240x64xf32, #tpu.memory_space<vmem_shared>>, %arg16: memref<10240x16xf32, #tpu.memory_space<vmem_shared>>, %arg17: memref<!tpu.dma_semaphore, #tpu.memory_space<semaphore_mem>>, %arg18: memref<!tpu.dma_semaphore, #tpu.memory_space<semaphore_mem>>, %arg19: memref<!tpu.dma_semaphore, #tpu.memory_space<semaphore_mem>>, %arg20: memref<!tpu.dma_semaphore, #tpu.memory_space<semaphore_mem>>, %arg21: memref<!tpu.dma_semaphore, #tpu.memory_space<semaphore_mem>>, %arg22: memref<!tpu.dma_semaphore, #tpu.memory_space<semaphore_mem>>, %arg23: memref<!tpu.dma_semaphore, #tpu.memory_space<semaphore_mem>>, %arg24: memref<!tpu.dma_semaphore, #tpu.memory_space<semaphore_mem>>, %arg25: memref<!tpu.dma_semaphore, #tpu.memory_space<semaphore_mem>>, %arg26: memref<!tpu.dma_semaphore, #tpu.memory_space<semaphore_mem>>, %arg27: memref<!tpu.dma_semaphore, #tpu.memory_space<semaphore_mem>>, %arg28: memref<!tpu.dma_semaphore, #tpu.memory_space<semaphore_mem>>, %arg29: memref<!tpu.dma_semaphore, #tpu.memory_space<semaphore_mem>>, %arg30: memref<!tpu.dma_semaphore, #tpu.memory_space<semaphore_mem>>, %arg31: memref<!tpu.dma_semaphore, #tpu.memory_space<semaphore_mem>>) attributes {dimension_semantics = [#tpu.dimension_semantics<core_parallel>, #tpu.dimension_semantics<subcore_parallel>], iteration_bounds = array<i64: 2, 16>, scalar_prefetch = 0 : i64, scratch_operands = 21 : i64, tpu.core_type = #tpu.core_type<sc_vector_subcore>, window_params = [{transform_indices = #map}, {transform_indices = #map}, {transform_indices = #map1}, {transform_indices = #map1}, {transform_indices = #map}, {transform_indices = #map}, {transform_indices = #map}, {transform_indices = #map2}, {transform_indices = #map1}]} {
    %mul3A = arith.constant 2 : i32
    %mul3A_0 = arith.muli %arg1, %mul3A : i32
    %add3A = arith.addi %mul3A_0, %arg0 : i32
    %mul3A_1 = arith.constant 640 : i32
    %mul3A_2 = arith.muli %arg1, %mul3A_1 : i32
    "tpu.region"() ({
      %run_scoped3A_244 = tpu.sem_alloc : memref<!tpu.dma_semaphore, #tpu.memory_space<semaphore_mem>>
      %dma_start3A_245 = arith.constant 0 : i32
      %dma_start3A_246 = arith.constant 0 : i32
      %dma_start3A_247 = tpu.memref_slice %arg4[%add3A, %dma_start3A_245, %dma_start3A_246] : memref<32x80x128xi32, #tpu.memory_space<hbm>> -> memref<1x80x128xi32, #tpu.memory_space<hbm>>
      %dma_start3A_248 = tpu.memref_squeeze %dma_start3A_247 : memref<1x80x128xi32, #tpu.memory_space<hbm>> -> memref<80x128xi32, #tpu.memory_space<hbm>>
      %dma_start3A_249 = arith.constant 0 : i32
      %dma_start3A_250 = arith.constant 0 : i32
      %dma_start3A_251 = tpu.memref_slice %arg4[%add3A, %dma_start3A_249, %dma_start3A_250] : memref<32x80x128xi32, #tpu.memory_space<hbm>> -> memref<1x80x128xi32, #tpu.memory_space<hbm>>
      %dma_start3A_252 = tpu.memref_squeeze %dma_start3A_251 : memref<1x80x128xi32, #tpu.memory_space<hbm>> -> memref<80x128xi32, #tpu.memory_space<hbm>>
      tpu.enqueue_dma source(%dma_start3A_252 : memref<80x128xi32, #tpu.memory_space<hbm>>) target(%arg11 : memref<80x128xi32, #tpu.memory_space<vmem>>) target_semaphore(%run_scoped3A_244 : memref<!tpu.dma_semaphore, #tpu.memory_space<semaphore_mem>>)
      %dma_wait3A_253 = arith.constant 0 : i32
      %dma_wait3A_254 = arith.constant 0 : i32
      %dma_wait3A_255 = tpu.memref_slice %arg4[%add3A, %dma_wait3A_253, %dma_wait3A_254] : memref<32x80x128xi32, #tpu.memory_space<hbm>> -> memref<1x80x128xi32, #tpu.memory_space<hbm>>
      %dma_wait3A_256 = tpu.memref_squeeze %dma_wait3A_255 : memref<1x80x128xi32, #tpu.memory_space<hbm>> -> memref<80x128xi32, #tpu.memory_space<hbm>>
      %dma_wait3A_257 = arith.constant 0 : i32
      %dma_wait3A_258 = arith.constant 0 : i32
      %dma_wait3A_259 = tpu.memref_slice %arg4[%add3A, %dma_wait3A_257, %dma_wait3A_258] : memref<32x80x128xi32, #tpu.memory_space<hbm>> -> memref<1x80x128xi32, #tpu.memory_space<hbm>>
      %dma_wait3A_260 = tpu.memref_squeeze %dma_wait3A_259 : memref<1x80x128xi32, #tpu.memory_space<hbm>> -> memref<80x128xi32, #tpu.memory_space<hbm>>
      tpu.wait_dma2 semaphore(%run_scoped3A_244 : memref<!tpu.dma_semaphore, #tpu.memory_space<semaphore_mem>>) src(%dma_wait3A_260 : memref<80x128xi32, #tpu.memory_space<hbm>>) dst(%arg11 : memref<80x128xi32, #tpu.memory_space<vmem>>)
      tpu.yield
    }) : () -> ()
    "tpu.region"() ({
      %run_scoped3A_244 = tpu.sem_alloc : memref<!tpu.dma_semaphore, #tpu.memory_space<semaphore_mem>>
      %dma_start3A_245 = arith.constant 0 : i32
      %dma_start3A_246 = arith.constant 0 : i32
      %dma_start3A_247 = tpu.memref_slice %arg5[%add3A, %dma_start3A_245, %dma_start3A_246] : memref<32x80x128xi32, #tpu.memory_space<hbm>> -> memref<1x80x128xi32, #tpu.memory_space<hbm>>
      %dma_start3A_248 = tpu.memref_squeeze %dma_start3A_247 : memref<1x80x128xi32, #tpu.memory_space<hbm>> -> memref<80x128xi32, #tpu.memory_space<hbm>>
      %dma_start3A_249 = arith.constant 0 : i32
      %dma_start3A_250 = arith.constant 0 : i32
      %dma_start3A_251 = tpu.memref_slice %arg5[%add3A, %dma_start3A_249, %dma_start3A_250] : memref<32x80x128xi32, #tpu.memory_space<hbm>> -> memref<1x80x128xi32, #tpu.memory_space<hbm>>
      %dma_start3A_252 = tpu.memref_squeeze %dma_start3A_251 : memref<1x80x128xi32, #tpu.memory_space<hbm>> -> memref<80x128xi32, #tpu.memory_space<hbm>>
      tpu.enqueue_dma source(%dma_start3A_252 : memref<80x128xi32, #tpu.memory_space<hbm>>) target(%arg12 : memref<80x128xi32, #tpu.memory_space<vmem>>) target_semaphore(%run_scoped3A_244 : memref<!tpu.dma_semaphore, #tpu.memory_space<semaphore_mem>>)
      %dma_wait3A_253 = arith.constant 0 : i32
      %dma_wait3A_254 = arith.constant 0 : i32
      %dma_wait3A_255 = tpu.memref_slice %arg5[%add3A, %dma_wait3A_253, %dma_wait3A_254] : memref<32x80x128xi32, #tpu.memory_space<hbm>> -> memref<1x80x128xi32, #tpu.memory_space<hbm>>
      %dma_wait3A_256 = tpu.memref_squeeze %dma_wait3A_255 : memref<1x80x128xi32, #tpu.memory_space<hbm>> -> memref<80x128xi32, #tpu.memory_space<hbm>>
      %dma_wait3A_257 = arith.constant 0 : i32
      %dma_wait3A_258 = arith.constant 0 : i32
      %dma_wait3A_259 = tpu.memref_slice %arg5[%add3A, %dma_wait3A_257, %dma_wait3A_258] : memref<32x80x128xi32, #tpu.memory_space<hbm>> -> memref<1x80x128xi32, #tpu.memory_space<hbm>>
      %dma_wait3A_260 = tpu.memref_squeeze %dma_wait3A_259 : memref<1x80x128xi32, #tpu.memory_space<hbm>> -> memref<80x128xi32, #tpu.memory_space<hbm>>
      tpu.wait_dma2 semaphore(%run_scoped3A_244 : memref<!tpu.dma_semaphore, #tpu.memory_space<semaphore_mem>>) src(%dma_wait3A_260 : memref<80x128xi32, #tpu.memory_space<hbm>>) dst(%arg12 : memref<80x128xi32, #tpu.memory_space<vmem>>)
      tpu.yield
    }) : () -> ()
    "tpu.region"() ({
      %run_scoped3A_244 = tpu.sem_alloc : memref<!tpu.dma_semaphore, #tpu.memory_space<semaphore_mem>>
      tpu.enqueue_dma source(%arg8 : memref<128x16xf32, #tpu.memory_space<hbm>>) target(%arg14 : memref<128x16xf32, #tpu.memory_space<vmem>>) target_semaphore(%run_scoped3A_244 : memref<!tpu.dma_semaphore, #tpu.memory_space<semaphore_mem>>)
      tpu.wait_dma2 semaphore(%run_scoped3A_244 : memref<!tpu.dma_semaphore, #tpu.memory_space<semaphore_mem>>) src(%arg8 : memref<128x16xf32, #tpu.memory_space<hbm>>) dst(%arg14 : memref<128x16xf32, #tpu.memory_space<vmem>>)
      tpu.yield
    }) : () -> ()
    "tpu.region"() ({
      %run_scoped3A_244 = tpu.sem_alloc : memref<!tpu.dma_semaphore, #tpu.memory_space<semaphore_mem>>
      %dma_start3A_245 = arith.constant 0 : i32
      %dma_start3A_246 = tpu.memref_slice %arg15[%mul3A_2, %dma_start3A_245] : memref<10240x64xf32, #tpu.memory_space<vmem_shared>> -> memref<640x64xf32, #tpu.memory_space<vmem_shared>>
      tpu.enqueue_dma source(%arg6 : memref<640x64xf32, #tpu.memory_space<hbm>>) target(%dma_start3A_246 : memref<640x64xf32, #tpu.memory_space<vmem_shared>>) target_semaphore(%run_scoped3A_244 : memref<!tpu.dma_semaphore, #tpu.memory_space<semaphore_mem>>)
      %dma_wait3A_247 = arith.constant 0 : i32
      %dma_wait3A_248 = tpu.memref_slice %arg15[%mul3A_2, %dma_wait3A_247] : memref<10240x64xf32, #tpu.memory_space<vmem_shared>> -> memref<640x64xf32, #tpu.memory_space<vmem_shared>>
      tpu.wait_dma2 semaphore(%run_scoped3A_244 : memref<!tpu.dma_semaphore, #tpu.memory_space<semaphore_mem>>) src(%arg6 : memref<640x64xf32, #tpu.memory_space<hbm>>) dst(%dma_wait3A_248 : memref<640x64xf32, #tpu.memory_space<vmem_shared>>)
      tpu.yield
    }) : () -> ()
    "tpu.region"() ({
      %run_scoped3A_244 = tpu.sem_alloc : memref<!tpu.dma_semaphore, #tpu.memory_space<semaphore_mem>>
      %dma_start3A_245 = arith.constant 0 : i32
      %dma_start3A_246 = tpu.memref_slice %arg16[%mul3A_2, %dma_start3A_245] : memref<10240x16xf32, #tpu.memory_space<vmem_shared>> -> memref<640x16xf32, #tpu.memory_space<vmem_shared>>
      tpu.enqueue_dma source(%arg7 : memref<640x16xf32, #tpu.memory_space<hbm>>) target(%dma_start3A_246 : memref<640x16xf32, #tpu.memory_space<vmem_shared>>) target_semaphore(%run_scoped3A_244 : memref<!tpu.dma_semaphore, #tpu.memory_space<semaphore_mem>>)
      %dma_wait3A_247 = arith.constant 0 : i32
      %dma_wait3A_248 = tpu.memref_slice %arg16[%mul3A_2, %dma_wait3A_247] : memref<10240x16xf32, #tpu.memory_space<vmem_shared>> -> memref<640x16xf32, #tpu.memory_space<vmem_shared>>
      tpu.wait_dma2 semaphore(%run_scoped3A_244 : memref<!tpu.dma_semaphore, #tpu.memory_space<semaphore_mem>>) src(%arg7 : memref<640x16xf32, #tpu.memory_space<hbm>>) dst(%dma_wait3A_248 : memref<640x16xf32, #tpu.memory_space<vmem_shared>>)
      tpu.yield
    }) : () -> ()
    %barrier3A = arith.constant 0 : index
    tpu.barrier barrier_id(%barrier3A)
    %dma_start3A = arith.constant 0 : i32
    %dma_start3A_3 = arith.constant 0 : i32
    %dma_start3A_4 = arith.constant 0 : i32
    %dma_start3A_5 = arith.constant 0 : i32
    %dma_start3A_6 = tpu.memref_slice %arg13[%dma_start3A_3, %dma_start3A_4, %dma_start3A_5] : memref<5x128x64xf32, #tpu.memory_space<vmem>> -> memref<1x128x64xf32, #tpu.memory_space<vmem>>
    %dma_start3A_7 = tpu.memref_squeeze %dma_start3A_6 : memref<1x128x64xf32, #tpu.memory_space<vmem>> -> memref<128x64xf32, #tpu.memory_space<vmem>>
    %dma_start3A_8 = arith.constant 0 : i32
    %dma_start3A_9 = tpu.memref_slice %arg12[%dma_start3A, %dma_start3A_8] : memref<80x128xi32, #tpu.memory_space<vmem>> -> memref<1x128xi32, #tpu.memory_space<vmem>>
    %dma_start3A_10 = tpu.memref_squeeze %dma_start3A_9 : memref<1x128xi32, #tpu.memory_space<vmem>> -> memref<128xi32, #tpu.memory_space<vmem>>
    %dma_start3A_11 = arith.constant 0 : i32
    %dma_start3A_12 = arith.constant 0 : i32
    %dma_start3A_13 = tpu.memref_slice %arg2[%dma_start3A_11, %dma_start3A_12] : memref<10000x64xf32, #tpu.memory_space<hbm>> -> memref<10000x64xf32, #tpu.memory_space<hbm>>
    tpu.enqueue_indirect_dma source(%dma_start3A_13 : memref<10000x64xf32, #tpu.memory_space<hbm>>) target(%dma_start3A_7 : memref<128x64xf32, #tpu.memory_space<vmem>>) offsets(%dma_start3A_10 : memref<128xi32, #tpu.memory_space<vmem>>) semaphore(%arg17 : memref<!tpu.dma_semaphore, #tpu.memory_space<semaphore_mem>>)
    %dma_start3A_14 = arith.constant 1 : i32
    %dma_start3A_15 = arith.constant 1 : i32
    %dma_start3A_16 = arith.constant 0 : i32
    %dma_start3A_17 = arith.constant 0 : i32
    %dma_start3A_18 = tpu.memref_slice %arg13[%dma_start3A_15, %dma_start3A_16, %dma_start3A_17] : memref<5x128x64xf32, #tpu.memory_space<vmem>> -> memref<1x128x64xf32, #tpu.memory_space<vmem>>
    %dma_start3A_19 = tpu.memref_squeeze %dma_start3A_18 : memref<1x128x64xf32, #tpu.memory_space<vmem>> -> memref<128x64xf32, #tpu.memory_space<vmem>>
    %dma_start3A_20 = arith.constant 0 : i32
    %dma_start3A_21 = tpu.memref_slice %arg12[%dma_start3A_14, %dma_start3A_20] : memref<80x128xi32, #tpu.memory_space<vmem>> -> memref<1x128xi32, #tpu.memory_space<vmem>>
    %dma_start3A_22 = tpu.memref_squeeze %dma_start3A_21 : memref<1x128xi32, #tpu.memory_space<vmem>> -> memref<128xi32, #tpu.memory_space<vmem>>
    %dma_start3A_23 = arith.constant 0 : i32
    %dma_start3A_24 = arith.constant 0 : i32
    %dma_start3A_25 = tpu.memref_slice %arg2[%dma_start3A_23, %dma_start3A_24] : memref<10000x64xf32, #tpu.memory_space<hbm>> -> memref<10000x64xf32, #tpu.memory_space<hbm>>
    tpu.enqueue_indirect_dma source(%dma_start3A_25 : memref<10000x64xf32, #tpu.memory_space<hbm>>) target(%dma_start3A_19 : memref<128x64xf32, #tpu.memory_space<vmem>>) offsets(%dma_start3A_22 : memref<128xi32, #tpu.memory_space<vmem>>) semaphore(%arg18 : memref<!tpu.dma_semaphore, #tpu.memory_space<semaphore_mem>>)
    %dma_start3A_26 = arith.constant 2 : i32
    %dma_start3A_27 = arith.constant 2 : i32
    %dma_start3A_28 = arith.constant 0 : i32
    %dma_start3A_29 = arith.constant 0 : i32
    %dma_start3A_30 = tpu.memref_slice %arg13[%dma_start3A_27, %dma_start3A_28, %dma_start3A_29] : memref<5x128x64xf32, #tpu.memory_space<vmem>> -> memref<1x128x64xf32, #tpu.memory_space<vmem>>
    %dma_start3A_31 = tpu.memref_squeeze %dma_start3A_30 : memref<1x128x64xf32, #tpu.memory_space<vmem>> -> memref<128x64xf32, #tpu.memory_space<vmem>>
    %dma_start3A_32 = arith.constant 0 : i32
    %dma_start3A_33 = tpu.memref_slice %arg12[%dma_start3A_26, %dma_start3A_32] : memref<80x128xi32, #tpu.memory_space<vmem>> -> memref<1x128xi32, #tpu.memory_space<vmem>>
    %dma_start3A_34 = tpu.memref_squeeze %dma_start3A_33 : memref<1x128xi32, #tpu.memory_space<vmem>> -> memref<128xi32, #tpu.memory_space<vmem>>
    %dma_start3A_35 = arith.constant 0 : i32
    %dma_start3A_36 = arith.constant 0 : i32
    %dma_start3A_37 = tpu.memref_slice %arg2[%dma_start3A_35, %dma_start3A_36] : memref<10000x64xf32, #tpu.memory_space<hbm>> -> memref<10000x64xf32, #tpu.memory_space<hbm>>
    tpu.enqueue_indirect_dma source(%dma_start3A_37 : memref<10000x64xf32, #tpu.memory_space<hbm>>) target(%dma_start3A_31 : memref<128x64xf32, #tpu.memory_space<vmem>>) offsets(%dma_start3A_34 : memref<128xi32, #tpu.memory_space<vmem>>) semaphore(%arg19 : memref<!tpu.dma_semaphore, #tpu.memory_space<semaphore_mem>>)
    %scan3A = arith.constant 0 : i32
    %scan3A_38 = arith.constant 0 : i32
    %scan3A_39 = arith.constant 16 : i32
    %scan3A_40 = arith.addi %scan3A_38, %scan3A_39 : i32
    %scan3A_41 = arith.constant 1 : i32
    scf.for %scan3A_244 = %scan3A_38 to %scan3A_40 step %scan3A_41  : i32 {
      %mul3A_245 = arith.constant 5 : i32
      %mul3A_246 = arith.muli %scan3A_244, %mul3A_245 : i32
      %add3A_247 = arith.constant 0 : i32
      %add3A_248 = arith.addi %mul3A_246, %add3A_247 : i32
      %add3A_249 = arith.constant 3 : i32
      %add3A_250 = arith.addi %add3A_248, %add3A_249 : i32
      %lt3A = arith.constant 80 : i32
      %lt3A_251 = arith.cmpi slt, %add3A_250, %lt3A : i32
      %convert_element_type3A = arith.extui %lt3A_251 : i1 to i32
      %cond3A = arith.constant 0 : i32
      %cond3A_252 = arith.cmpi ne, %convert_element_type3A, %cond3A : i32
      scf.if %cond3A_252 {
        %ge3A_461 = arith.constant 5 : i32
        %ge3A_462 = arith.cmpi sge, %add3A_250, %ge3A_461 : i32
        %convert_element_type3A_463 = arith.extui %ge3A_462 : i1 to i32
        %cond3A_464 = arith.constant 0 : i32
        %cond3A_465 = arith.cmpi ne, %convert_element_type3A_463, %cond3A_464 : i32
        scf.if %cond3A_465 {
          %dma_wait3A_477 = arith.constant 3 : i32
          %dma_wait3A_478 = arith.constant 0 : i32
          %dma_wait3A_479 = arith.constant 0 : i32
          %dma_wait3A_480 = arith.constant 0 : i32
          %dma_wait3A_481 = tpu.memref_slice %arg13[%dma_wait3A_477, %dma_wait3A_479, %dma_wait3A_480] : memref<5x128x64xf32, #tpu.memory_space<vmem>> -> memref<1x128x64xf32, #tpu.memory_space<vmem>>
          %dma_wait3A_482 = tpu.memref_squeeze %dma_wait3A_481 : memref<1x128x64xf32, #tpu.memory_space<vmem>> -> memref<128x64xf32, #tpu.memory_space<vmem>>
          %dma_wait3A_483 = arith.constant 0 : i32
          %dma_wait3A_484 = tpu.memref_slice %arg11[%dma_wait3A_478, %dma_wait3A_483] : memref<80x128xi32, #tpu.memory_space<vmem>> -> memref<1x128xi32, #tpu.memory_space<vmem>>
          %dma_wait3A_485 = tpu.memref_squeeze %dma_wait3A_484 : memref<1x128xi32, #tpu.memory_space<vmem>> -> memref<128xi32, #tpu.memory_space<vmem>>
          %dma_wait3A_486 = arith.constant 0 : i32
          %dma_wait3A_487 = arith.constant 0 : i32
          %dma_wait3A_488 = tpu.memref_slice %arg15[%dma_wait3A_486, %dma_wait3A_487] : memref<10240x64xf32, #tpu.memory_space<vmem_shared>> -> memref<10240x64xf32, #tpu.memory_space<vmem_shared>>
          tpu.wait_indirect_dma semaphore(%arg25 : memref<!tpu.dma_semaphore, #tpu.memory_space<semaphore_mem>>) src(%dma_wait3A_482 : memref<128x64xf32, #tpu.memory_space<vmem>>) dst(%dma_wait3A_488 : memref<10240x64xf32, #tpu.memory_space<vmem_shared>>)
        } else {
        }
        %dma_start3A_466 = arith.constant 3 : i32
        %dma_start3A_467 = arith.constant 0 : i32
        %dma_start3A_468 = arith.constant 0 : i32
        %dma_start3A_469 = tpu.memref_slice %arg13[%dma_start3A_466, %dma_start3A_467, %dma_start3A_468] : memref<5x128x64xf32, #tpu.memory_space<vmem>> -> memref<1x128x64xf32, #tpu.memory_space<vmem>>
        %dma_start3A_470 = tpu.memref_squeeze %dma_start3A_469 : memref<1x128x64xf32, #tpu.memory_space<vmem>> -> memref<128x64xf32, #tpu.memory_space<vmem>>
        %dma_start3A_471 = arith.constant 0 : i32
        %dma_start3A_472 = tpu.memref_slice %arg12[%add3A_250, %dma_start3A_471] : memref<80x128xi32, #tpu.memory_space<vmem>> -> memref<1x128xi32, #tpu.memory_space<vmem>>
        %dma_start3A_473 = tpu.memref_squeeze %dma_start3A_472 : memref<1x128xi32, #tpu.memory_space<vmem>> -> memref<128xi32, #tpu.memory_space<vmem>>
        %dma_start3A_474 = arith.constant 0 : i32
        %dma_start3A_475 = arith.constant 0 : i32
        %dma_start3A_476 = tpu.memref_slice %arg2[%dma_start3A_474, %dma_start3A_475] : memref<10000x64xf32, #tpu.memory_space<hbm>> -> memref<10000x64xf32, #tpu.memory_space<hbm>>
        tpu.enqueue_indirect_dma source(%dma_start3A_476 : memref<10000x64xf32, #tpu.memory_space<hbm>>) target(%dma_start3A_470 : memref<128x64xf32, #tpu.memory_space<vmem>>) offsets(%dma_start3A_473 : memref<128xi32, #tpu.memory_space<vmem>>) semaphore(%arg20 : memref<!tpu.dma_semaphore, #tpu.memory_space<semaphore_mem>>)
      } else {
      }
      %dma_wait3A_253 = arith.constant 0 : i32
      %dma_wait3A_254 = arith.constant 0 : i32
      %dma_wait3A_255 = arith.constant 0 : i32
      %dma_wait3A_256 = tpu.memref_slice %arg13[%dma_wait3A_253, %dma_wait3A_254, %dma_wait3A_255] : memref<5x128x64xf32, #tpu.memory_space<vmem>> -> memref<1x128x64xf32, #tpu.memory_space<vmem>>
      %dma_wait3A_257 = tpu.memref_squeeze %dma_wait3A_256 : memref<1x128x64xf32, #tpu.memory_space<vmem>> -> memref<128x64xf32, #tpu.memory_space<vmem>>
      %dma_wait3A_258 = arith.constant 0 : i32
      %dma_wait3A_259 = tpu.memref_slice %arg12[%add3A_248, %dma_wait3A_258] : memref<80x128xi32, #tpu.memory_space<vmem>> -> memref<1x128xi32, #tpu.memory_space<vmem>>
      %dma_wait3A_260 = tpu.memref_squeeze %dma_wait3A_259 : memref<1x128xi32, #tpu.memory_space<vmem>> -> memref<128xi32, #tpu.memory_space<vmem>>
      %dma_wait3A_261 = arith.constant 0 : i32
      %dma_wait3A_262 = arith.constant 0 : i32
      %dma_wait3A_263 = tpu.memref_slice %arg2[%dma_wait3A_261, %dma_wait3A_262] : memref<10000x64xf32, #tpu.memory_space<hbm>> -> memref<10000x64xf32, #tpu.memory_space<hbm>>
      tpu.wait_indirect_dma semaphore(%arg17 : memref<!tpu.dma_semaphore, #tpu.memory_space<semaphore_mem>>) src(%dma_wait3A_263 : memref<10000x64xf32, #tpu.memory_space<hbm>>) dst(%dma_wait3A_257 : memref<128x64xf32, #tpu.memory_space<vmem>>)
      %dma_start3A_264 = arith.constant 0 : i32
      %dma_start3A_265 = arith.constant 0 : i32
      %dma_start3A_266 = arith.constant 0 : i32
      %dma_start3A_267 = tpu.memref_slice %arg13[%dma_start3A_264, %dma_start3A_265, %dma_start3A_266] : memref<5x128x64xf32, #tpu.memory_space<vmem>> -> memref<1x128x64xf32, #tpu.memory_space<vmem>>
      %dma_start3A_268 = tpu.memref_squeeze %dma_start3A_267 : memref<1x128x64xf32, #tpu.memory_space<vmem>> -> memref<128x64xf32, #tpu.memory_space<vmem>>
      %dma_start3A_269 = arith.constant 0 : i32
      %dma_start3A_270 = tpu.memref_slice %arg11[%add3A_248, %dma_start3A_269] : memref<80x128xi32, #tpu.memory_space<vmem>> -> memref<1x128xi32, #tpu.memory_space<vmem>>
      %dma_start3A_271 = tpu.memref_squeeze %dma_start3A_270 : memref<1x128xi32, #tpu.memory_space<vmem>> -> memref<128xi32, #tpu.memory_space<vmem>>
      %dma_start3A_272 = arith.constant 0 : i32
      %dma_start3A_273 = arith.constant 0 : i32
      %dma_start3A_274 = tpu.memref_slice %arg15[%dma_start3A_272, %dma_start3A_273] : memref<10240x64xf32, #tpu.memory_space<vmem_shared>> -> memref<10240x64xf32, #tpu.memory_space<vmem_shared>>
      tpu.enqueue_indirect_dma source(%dma_start3A_268 : memref<128x64xf32, #tpu.memory_space<vmem>>) target(%dma_start3A_274 : memref<10240x64xf32, #tpu.memory_space<vmem_shared>>) offsets(%dma_start3A_271 : memref<128xi32, #tpu.memory_space<vmem>>) semaphore(%arg22 : memref<!tpu.dma_semaphore, #tpu.memory_space<semaphore_mem>>) {add = true}
      %ge3A = arith.constant 5 : i32
      %ge3A_275 = arith.cmpi sge, %add3A_248, %ge3A : i32
      %convert_element_type3A_276 = arith.extui %ge3A_275 : i1 to i32
      %cond3A_277 = arith.constant 0 : i32
      %cond3A_278 = arith.cmpi ne, %convert_element_type3A_276, %cond3A_277 : i32
      scf.if %cond3A_278 {
        %dma_wait3A_461 = arith.constant 0 : i32
        %dma_wait3A_462 = arith.constant 0 : i32
        %dma_wait3A_463 = tpu.memref_slice %arg11[%dma_wait3A_461, %dma_wait3A_462] : memref<80x128xi32, #tpu.memory_space<vmem>> -> memref<1x128xi32, #tpu.memory_space<vmem>>
        %dma_wait3A_464 = tpu.memref_squeeze %dma_wait3A_463 : memref<1x128xi32, #tpu.memory_space<vmem>> -> memref<128xi32, #tpu.memory_space<vmem>>
        %dma_wait3A_465 = arith.constant 0 : i32
        %dma_wait3A_466 = arith.constant 0 : i32
        %dma_wait3A_467 = tpu.memref_slice %arg16[%dma_wait3A_465, %dma_wait3A_466] : memref<10240x16xf32, #tpu.memory_space<vmem_shared>> -> memref<10240x16xf32, #tpu.memory_space<vmem_shared>>
        tpu.wait_indirect_dma semaphore(%arg27 : memref<!tpu.dma_semaphore, #tpu.memory_space<semaphore_mem>>) src(%arg14 : memref<128x16xf32, #tpu.memory_space<vmem>>) dst(%dma_wait3A_467 : memref<10240x16xf32, #tpu.memory_space<vmem_shared>>)
      } else {
      }
      %dma_start3A_279 = arith.constant 0 : i32
      %dma_start3A_280 = tpu.memref_slice %arg11[%add3A_248, %dma_start3A_279] : memref<80x128xi32, #tpu.memory_space<vmem>> -> memref<1x128xi32, #tpu.memory_space<vmem>>
      %dma_start3A_281 = tpu.memref_squeeze %dma_start3A_280 : memref<1x128xi32, #tpu.memory_space<vmem>> -> memref<128xi32, #tpu.memory_space<vmem>>
      %dma_start3A_282 = arith.constant 0 : i32
      %dma_start3A_283 = arith.constant 0 : i32
      %dma_start3A_284 = tpu.memref_slice %arg16[%dma_start3A_282, %dma_start3A_283] : memref<10240x16xf32, #tpu.memory_space<vmem_shared>> -> memref<10240x16xf32, #tpu.memory_space<vmem_shared>>
      tpu.enqueue_indirect_dma source(%arg14 : memref<128x16xf32, #tpu.memory_space<vmem>>) target(%dma_start3A_284 : memref<10240x16xf32, #tpu.memory_space<vmem_shared>>) offsets(%dma_start3A_281 : memref<128xi32, #tpu.memory_space<vmem>>) semaphore(%arg27 : memref<!tpu.dma_semaphore, #tpu.memory_space<semaphore_mem>>) {add = true}
      %mul3A_285 = arith.constant 5 : i32
      %mul3A_286 = arith.muli %scan3A_244, %mul3A_285 : i32
      %add3A_287 = arith.constant 1 : i32
      %add3A_288 = arith.addi %mul3A_286, %add3A_287 : i32
      %add3A_289 = arith.constant 3 : i32
      %add3A_290 = arith.addi %add3A_288, %add3A_289 : i32
      %lt3A_291 = arith.constant 80 : i32
      %lt3A_292 = arith.cmpi slt, %add3A_290, %lt3A_291 : i32
      %convert_element_type3A_293 = arith.extui %lt3A_292 : i1 to i32
      %cond3A_294 = arith.constant 0 : i32
      %cond3A_295 = arith.cmpi ne, %convert_element_type3A_293, %cond3A_294 : i32
      scf.if %cond3A_295 {
        %ge3A_461 = arith.constant 5 : i32
        %ge3A_462 = arith.cmpi sge, %add3A_290, %ge3A_461 : i32
        %convert_element_type3A_463 = arith.extui %ge3A_462 : i1 to i32
        %cond3A_464 = arith.constant 0 : i32
        %cond3A_465 = arith.cmpi ne, %convert_element_type3A_463, %cond3A_464 : i32
        scf.if %cond3A_465 {
          %dma_wait3A_477 = arith.constant 4 : i32
          %dma_wait3A_478 = arith.constant 0 : i32
          %dma_wait3A_479 = arith.constant 0 : i32
          %dma_wait3A_480 = arith.constant 0 : i32
          %dma_wait3A_481 = tpu.memref_slice %arg13[%dma_wait3A_477, %dma_wait3A_479, %dma_wait3A_480] : memref<5x128x64xf32, #tpu.memory_space<vmem>> -> memref<1x128x64xf32, #tpu.memory_space<vmem>>
          %dma_wait3A_482 = tpu.memref_squeeze %dma_wait3A_481 : memref<1x128x64xf32, #tpu.memory_space<vmem>> -> memref<128x64xf32, #tpu.memory_space<vmem>>
          %dma_wait3A_483 = arith.constant 0 : i32
          %dma_wait3A_484 = tpu.memref_slice %arg11[%dma_wait3A_478, %dma_wait3A_483] : memref<80x128xi32, #tpu.memory_space<vmem>> -> memref<1x128xi32, #tpu.memory_space<vmem>>
          %dma_wait3A_485 = tpu.memref_squeeze %dma_wait3A_484 : memref<1x128xi32, #tpu.memory_space<vmem>> -> memref<128xi32, #tpu.memory_space<vmem>>
          %dma_wait3A_486 = arith.constant 0 : i32
          %dma_wait3A_487 = arith.constant 0 : i32
          %dma_wait3A_488 = tpu.memref_slice %arg15[%dma_wait3A_486, %dma_wait3A_487] : memref<10240x64xf32, #tpu.memory_space<vmem_shared>> -> memref<10240x64xf32, #tpu.memory_space<vmem_shared>>
          tpu.wait_indirect_dma semaphore(%arg26 : memref<!tpu.dma_semaphore, #tpu.memory_space<semaphore_mem>>) src(%dma_wait3A_482 : memref<128x64xf32, #tpu.memory_space<vmem>>) dst(%dma_wait3A_488 : memref<10240x64xf32, #tpu.memory_space<vmem_shared>>)
        } else {
        }
        %dma_start3A_466 = arith.constant 4 : i32
        %dma_start3A_467 = arith.constant 0 : i32
        %dma_start3A_468 = arith.constant 0 : i32
        %dma_start3A_469 = tpu.memref_slice %arg13[%dma_start3A_466, %dma_start3A_467, %dma_start3A_468] : memref<5x128x64xf32, #tpu.memory_space<vmem>> -> memref<1x128x64xf32, #tpu.memory_space<vmem>>
        %dma_start3A_470 = tpu.memref_squeeze %dma_start3A_469 : memref<1x128x64xf32, #tpu.memory_space<vmem>> -> memref<128x64xf32, #tpu.memory_space<vmem>>
        %dma_start3A_471 = arith.constant 0 : i32
        %dma_start3A_472 = tpu.memref_slice %arg12[%add3A_290, %dma_start3A_471] : memref<80x128xi32, #tpu.memory_space<vmem>> -> memref<1x128xi32, #tpu.memory_space<vmem>>
        %dma_start3A_473 = tpu.memref_squeeze %dma_start3A_472 : memref<1x128xi32, #tpu.memory_space<vmem>> -> memref<128xi32, #tpu.memory_space<vmem>>
        %dma_start3A_474 = arith.constant 0 : i32
        %dma_start3A_475 = arith.constant 0 : i32
        %dma_start3A_476 = tpu.memref_slice %arg2[%dma_start3A_474, %dma_start3A_475] : memref<10000x64xf32, #tpu.memory_space<hbm>> -> memref<10000x64xf32, #tpu.memory_space<hbm>>
        tpu.enqueue_indirect_dma source(%dma_start3A_476 : memref<10000x64xf32, #tpu.memory_space<hbm>>) target(%dma_start3A_470 : memref<128x64xf32, #tpu.memory_space<vmem>>) offsets(%dma_start3A_473 : memref<128xi32, #tpu.memory_space<vmem>>) semaphore(%arg21 : memref<!tpu.dma_semaphore, #tpu.memory_space<semaphore_mem>>)
      } else {
      }
      %dma_wait3A_296 = arith.constant 1 : i32
      %dma_wait3A_297 = arith.constant 0 : i32
      %dma_wait3A_298 = arith.constant 0 : i32
      %dma_wait3A_299 = tpu.memref_slice %arg13[%dma_wait3A_296, %dma_wait3A_297, %dma_wait3A_298] : memref<5x128x64xf32, #tpu.memory_space<vmem>> -> memref<1x128x64xf32, #tpu.memory_space<vmem>>
      %dma_wait3A_300 = tpu.memref_squeeze %dma_wait3A_299 : memref<1x128x64xf32, #tpu.memory_space<vmem>> -> memref<128x64xf32, #tpu.memory_space<vmem>>
      %dma_wait3A_301 = arith.constant 0 : i32
      %dma_wait3A_302 = tpu.memref_slice %arg12[%add3A_288, %dma_wait3A_301] : memref<80x128xi32, #tpu.memory_space<vmem>> -> memref<1x128xi32, #tpu.memory_space<vmem>>
      %dma_wait3A_303 = tpu.memref_squeeze %dma_wait3A_302 : memref<1x128xi32, #tpu.memory_space<vmem>> -> memref<128xi32, #tpu.memory_space<vmem>>
      %dma_wait3A_304 = arith.constant 0 : i32
      %dma_wait3A_305 = arith.constant 0 : i32
      %dma_wait3A_306 = tpu.memref_slice %arg2[%dma_wait3A_304, %dma_wait3A_305] : memref<10000x64xf32, #tpu.memory_space<hbm>> -> memref<10000x64xf32, #tpu.memory_space<hbm>>
      tpu.wait_indirect_dma semaphore(%arg18 : memref<!tpu.dma_semaphore, #tpu.memory_space<semaphore_mem>>) src(%dma_wait3A_306 : memref<10000x64xf32, #tpu.memory_space<hbm>>) dst(%dma_wait3A_300 : memref<128x64xf32, #tpu.memory_space<vmem>>)
      %dma_start3A_307 = arith.constant 1 : i32
      %dma_start3A_308 = arith.constant 0 : i32
      %dma_start3A_309 = arith.constant 0 : i32
      %dma_start3A_310 = tpu.memref_slice %arg13[%dma_start3A_307, %dma_start3A_308, %dma_start3A_309] : memref<5x128x64xf32, #tpu.memory_space<vmem>> -> memref<1x128x64xf32, #tpu.memory_space<vmem>>
      %dma_start3A_311 = tpu.memref_squeeze %dma_start3A_310 : memref<1x128x64xf32, #tpu.memory_space<vmem>> -> memref<128x64xf32, #tpu.memory_space<vmem>>
      %dma_start3A_312 = arith.constant 0 : i32
      %dma_start3A_313 = tpu.memref_slice %arg11[%add3A_288, %dma_start3A_312] : memref<80x128xi32, #tpu.memory_space<vmem>> -> memref<1x128xi32, #tpu.memory_space<vmem>>
      %dma_start3A_314 = tpu.memref_squeeze %dma_start3A_313 : memref<1x128xi32, #tpu.memory_space<vmem>> -> memref<128xi32, #tpu.memory_space<vmem>>
      %dma_start3A_315 = arith.constant 0 : i32
      %dma_start3A_316 = arith.constant 0 : i32
      %dma_start3A_317 = tpu.memref_slice %arg15[%dma_start3A_315, %dma_start3A_316] : memref<10240x64xf32, #tpu.memory_space<vmem_shared>> -> memref<10240x64xf32, #tpu.memory_space<vmem_shared>>
      tpu.enqueue_indirect_dma source(%dma_start3A_311 : memref<128x64xf32, #tpu.memory_space<vmem>>) target(%dma_start3A_317 : memref<10240x64xf32, #tpu.memory_space<vmem_shared>>) offsets(%dma_start3A_314 : memref<128xi32, #tpu.memory_space<vmem>>) semaphore(%arg23 : memref<!tpu.dma_semaphore, #tpu.memory_space<semaphore_mem>>) {add = true}
      %ge3A_318 = arith.constant 5 : i32
      %ge3A_319 = arith.cmpi sge, %add3A_288, %ge3A_318 : i32
      %convert_element_type3A_320 = arith.extui %ge3A_319 : i1 to i32
      %cond3A_321 = arith.constant 0 : i32
      %cond3A_322 = arith.cmpi ne, %convert_element_type3A_320, %cond3A_321 : i32
      scf.if %cond3A_322 {
        %dma_wait3A_461 = arith.constant 0 : i32
        %dma_wait3A_462 = arith.constant 0 : i32
        %dma_wait3A_463 = tpu.memref_slice %arg11[%dma_wait3A_461, %dma_wait3A_462] : memref<80x128xi32, #tpu.memory_space<vmem>> -> memref<1x128xi32, #tpu.memory_space<vmem>>
        %dma_wait3A_464 = tpu.memref_squeeze %dma_wait3A_463 : memref<1x128xi32, #tpu.memory_space<vmem>> -> memref<128xi32, #tpu.memory_space<vmem>>
        %dma_wait3A_465 = arith.constant 0 : i32
        %dma_wait3A_466 = arith.constant 0 : i32
        %dma_wait3A_467 = tpu.memref_slice %arg16[%dma_wait3A_465, %dma_wait3A_466] : memref<10240x16xf32, #tpu.memory_space<vmem_shared>> -> memref<10240x16xf32, #tpu.memory_space<vmem_shared>>
        tpu.wait_indirect_dma semaphore(%arg28 : memref<!tpu.dma_semaphore, #tpu.memory_space<semaphore_mem>>) src(%arg14 : memref<128x16xf32, #tpu.memory_space<vmem>>) dst(%dma_wait3A_467 : memref<10240x16xf32, #tpu.memory_space<vmem_shared>>)
      } else {
      }
      %dma_start3A_323 = arith.constant 0 : i32
      %dma_start3A_324 = tpu.memref_slice %arg11[%add3A_288, %dma_start3A_323] : memref<80x128xi32, #tpu.memory_space<vmem>> -> memref<1x128xi32, #tpu.memory_space<vmem>>
      %dma_start3A_325 = tpu.memref_squeeze %dma_start3A_324 : memref<1x128xi32, #tpu.memory_space<vmem>> -> memref<128xi32, #tpu.memory_space<vmem>>
      %dma_start3A_326 = arith.constant 0 : i32
      %dma_start3A_327 = arith.constant 0 : i32
      %dma_start3A_328 = tpu.memref_slice %arg16[%dma_start3A_326, %dma_start3A_327] : memref<10240x16xf32, #tpu.memory_space<vmem_shared>> -> memref<10240x16xf32, #tpu.memory_space<vmem_shared>>
      tpu.enqueue_indirect_dma source(%arg14 : memref<128x16xf32, #tpu.memory_space<vmem>>) target(%dma_start3A_328 : memref<10240x16xf32, #tpu.memory_space<vmem_shared>>) offsets(%dma_start3A_325 : memref<128xi32, #tpu.memory_space<vmem>>) semaphore(%arg28 : memref<!tpu.dma_semaphore, #tpu.memory_space<semaphore_mem>>) {add = true}
      %mul3A_329 = arith.constant 5 : i32
      %mul3A_330 = arith.muli %scan3A_244, %mul3A_329 : i32
      %add3A_331 = arith.constant 2 : i32
      %add3A_332 = arith.addi %mul3A_330, %add3A_331 : i32
      %add3A_333 = arith.constant 3 : i32
      %add3A_334 = arith.addi %add3A_332, %add3A_333 : i32
      %lt3A_335 = arith.constant 80 : i32
      %lt3A_336 = arith.cmpi slt, %add3A_334, %lt3A_335 : i32
      %convert_element_type3A_337 = arith.extui %lt3A_336 : i1 to i32
      %cond3A_338 = arith.constant 0 : i32
      %cond3A_339 = arith.cmpi ne, %convert_element_type3A_337, %cond3A_338 : i32
      scf.if %cond3A_339 {
        %ge3A_461 = arith.constant 5 : i32
        %ge3A_462 = arith.cmpi sge, %add3A_334, %ge3A_461 : i32
        %convert_element_type3A_463 = arith.extui %ge3A_462 : i1 to i32
        %cond3A_464 = arith.constant 0 : i32
        %cond3A_465 = arith.cmpi ne, %convert_element_type3A_463, %cond3A_464 : i32
        scf.if %cond3A_465 {
          %dma_wait3A_477 = arith.constant 0 : i32
          %dma_wait3A_478 = arith.constant 0 : i32
          %dma_wait3A_479 = arith.constant 0 : i32
          %dma_wait3A_480 = arith.constant 0 : i32
          %dma_wait3A_481 = tpu.memref_slice %arg13[%dma_wait3A_477, %dma_wait3A_479, %dma_wait3A_480] : memref<5x128x64xf32, #tpu.memory_space<vmem>> -> memref<1x128x64xf32, #tpu.memory_space<vmem>>
          %dma_wait3A_482 = tpu.memref_squeeze %dma_wait3A_481 : memref<1x128x64xf32, #tpu.memory_space<vmem>> -> memref<128x64xf32, #tpu.memory_space<vmem>>
          %dma_wait3A_483 = arith.constant 0 : i32
          %dma_wait3A_484 = tpu.memref_slice %arg11[%dma_wait3A_478, %dma_wait3A_483] : memref<80x128xi32, #tpu.memory_space<vmem>> -> memref<1x128xi32, #tpu.memory_space<vmem>>
          %dma_wait3A_485 = tpu.memref_squeeze %dma_wait3A_484 : memref<1x128xi32, #tpu.memory_space<vmem>> -> memref<128xi32, #tpu.memory_space<vmem>>
          %dma_wait3A_486 = arith.constant 0 : i32
          %dma_wait3A_487 = arith.constant 0 : i32
          %dma_wait3A_488 = tpu.memref_slice %arg15[%dma_wait3A_486, %dma_wait3A_487] : memref<10240x64xf32, #tpu.memory_space<vmem_shared>> -> memref<10240x64xf32, #tpu.memory_space<vmem_shared>>
          tpu.wait_indirect_dma semaphore(%arg22 : memref<!tpu.dma_semaphore, #tpu.memory_space<semaphore_mem>>) src(%dma_wait3A_482 : memref<128x64xf32, #tpu.memory_space<vmem>>) dst(%dma_wait3A_488 : memref<10240x64xf32, #tpu.memory_space<vmem_shared>>)
        } else {
        }
        %dma_start3A_466 = arith.constant 0 : i32
        %dma_start3A_467 = arith.constant 0 : i32
        %dma_start3A_468 = arith.constant 0 : i32
        %dma_start3A_469 = tpu.memref_slice %arg13[%dma_start3A_466, %dma_start3A_467, %dma_start3A_468] : memref<5x128x64xf32, #tpu.memory_space<vmem>> -> memref<1x128x64xf32, #tpu.memory_space<vmem>>
        %dma_start3A_470 = tpu.memref_squeeze %dma_start3A_469 : memref<1x128x64xf32, #tpu.memory_space<vmem>> -> memref<128x64xf32, #tpu.memory_space<vmem>>
        %dma_start3A_471 = arith.constant 0 : i32
        %dma_start3A_472 = tpu.memref_slice %arg12[%add3A_334, %dma_start3A_471] : memref<80x128xi32, #tpu.memory_space<vmem>> -> memref<1x128xi32, #tpu.memory_space<vmem>>
        %dma_start3A_473 = tpu.memref_squeeze %dma_start3A_472 : memref<1x128xi32, #tpu.memory_space<vmem>> -> memref<128xi32, #tpu.memory_space<vmem>>
        %dma_start3A_474 = arith.constant 0 : i32
        %dma_start3A_475 = arith.constant 0 : i32
        %dma_start3A_476 = tpu.memref_slice %arg2[%dma_start3A_474, %dma_start3A_475] : memref<10000x64xf32, #tpu.memory_space<hbm>> -> memref<10000x64xf32, #tpu.memory_space<hbm>>
        tpu.enqueue_indirect_dma source(%dma_start3A_476 : memref<10000x64xf32, #tpu.memory_space<hbm>>) target(%dma_start3A_470 : memref<128x64xf32, #tpu.memory_space<vmem>>) offsets(%dma_start3A_473 : memref<128xi32, #tpu.memory_space<vmem>>) semaphore(%arg17 : memref<!tpu.dma_semaphore, #tpu.memory_space<semaphore_mem>>)
      } else {
      }
      %dma_wait3A_340 = arith.constant 2 : i32
      %dma_wait3A_341 = arith.constant 0 : i32
      %dma_wait3A_342 = arith.constant 0 : i32
      %dma_wait3A_343 = tpu.memref_slice %arg13[%dma_wait3A_340, %dma_wait3A_341, %dma_wait3A_342] : memref<5x128x64xf32, #tpu.memory_space<vmem>> -> memref<1x128x64xf32, #tpu.memory_space<vmem>>
      %dma_wait3A_344 = tpu.memref_squeeze %dma_wait3A_343 : memref<1x128x64xf32, #tpu.memory_space<vmem>> -> memref<128x64xf32, #tpu.memory_space<vmem>>
      %dma_wait3A_345 = arith.constant 0 : i32
      %dma_wait3A_346 = tpu.memref_slice %arg12[%add3A_332, %dma_wait3A_345] : memref<80x128xi32, #tpu.memory_space<vmem>> -> memref<1x128xi32, #tpu.memory_space<vmem>>
      %dma_wait3A_347 = tpu.memref_squeeze %dma_wait3A_346 : memref<1x128xi32, #tpu.memory_space<vmem>> -> memref<128xi32, #tpu.memory_space<vmem>>
      %dma_wait3A_348 = arith.constant 0 : i32
      %dma_wait3A_349 = arith.constant 0 : i32
      %dma_wait3A_350 = tpu.memref_slice %arg2[%dma_wait3A_348, %dma_wait3A_349] : memref<10000x64xf32, #tpu.memory_space<hbm>> -> memref<10000x64xf32, #tpu.memory_space<hbm>>
      tpu.wait_indirect_dma semaphore(%arg19 : memref<!tpu.dma_semaphore, #tpu.memory_space<semaphore_mem>>) src(%dma_wait3A_350 : memref<10000x64xf32, #tpu.memory_space<hbm>>) dst(%dma_wait3A_344 : memref<128x64xf32, #tpu.memory_space<vmem>>)
      %dma_start3A_351 = arith.constant 2 : i32
      %dma_start3A_352 = arith.constant 0 : i32
      %dma_start3A_353 = arith.constant 0 : i32
      %dma_start3A_354 = tpu.memref_slice %arg13[%dma_start3A_351, %dma_start3A_352, %dma_start3A_353] : memref<5x128x64xf32, #tpu.memory_space<vmem>> -> memref<1x128x64xf32, #tpu.memory_space<vmem>>
      %dma_start3A_355 = tpu.memref_squeeze %dma_start3A_354 : memref<1x128x64xf32, #tpu.memory_space<vmem>> -> memref<128x64xf32, #tpu.memory_space<vmem>>
      %dma_start3A_356 = arith.constant 0 : i32
      %dma_start3A_357 = tpu.memref_slice %arg11[%add3A_332, %dma_start3A_356] : memref<80x128xi32, #tpu.memory_space<vmem>> -> memref<1x128xi32, #tpu.memory_space<vmem>>
      %dma_start3A_358 = tpu.memref_squeeze %dma_start3A_357 : memref<1x128xi32, #tpu.memory_space<vmem>> -> memref<128xi32, #tpu.memory_space<vmem>>
      %dma_start3A_359 = arith.constant 0 : i32
      %dma_start3A_360 = arith.constant 0 : i32
      %dma_start3A_361 = tpu.memref_slice %arg15[%dma_start3A_359, %dma_start3A_360] : memref<10240x64xf32, #tpu.memory_space<vmem_shared>> -> memref<10240x64xf32, #tpu.memory_space<vmem_shared>>
      tpu.enqueue_indirect_dma source(%dma_start3A_355 : memref<128x64xf32, #tpu.memory_space<vmem>>) target(%dma_start3A_361 : memref<10240x64xf32, #tpu.memory_space<vmem_shared>>) offsets(%dma_start3A_358 : memref<128xi32, #tpu.memory_space<vmem>>) semaphore(%arg24 : memref<!tpu.dma_semaphore, #tpu.memory_space<semaphore_mem>>) {add = true}
      %ge3A_362 = arith.constant 5 : i32
      %ge3A_363 = arith.cmpi sge, %add3A_332, %ge3A_362 : i32
      %convert_element_type3A_364 = arith.extui %ge3A_363 : i1 to i32
      %cond3A_365 = arith.constant 0 : i32
      %cond3A_366 = arith.cmpi ne, %convert_element_type3A_364, %cond3A_365 : i32
      scf.if %cond3A_366 {
        %dma_wait3A_461 = arith.constant 0 : i32
        %dma_wait3A_462 = arith.constant 0 : i32
        %dma_wait3A_463 = tpu.memref_slice %arg11[%dma_wait3A_461, %dma_wait3A_462] : memref<80x128xi32, #tpu.memory_space<vmem>> -> memref<1x128xi32, #tpu.memory_space<vmem>>
        %dma_wait3A_464 = tpu.memref_squeeze %dma_wait3A_463 : memref<1x128xi32, #tpu.memory_space<vmem>> -> memref<128xi32, #tpu.memory_space<vmem>>
        %dma_wait3A_465 = arith.constant 0 : i32
        %dma_wait3A_466 = arith.constant 0 : i32
        %dma_wait3A_467 = tpu.memref_slice %arg16[%dma_wait3A_465, %dma_wait3A_466] : memref<10240x16xf32, #tpu.memory_space<vmem_shared>> -> memref<10240x16xf32, #tpu.memory_space<vmem_shared>>
        tpu.wait_indirect_dma semaphore(%arg29 : memref<!tpu.dma_semaphore, #tpu.memory_space<semaphore_mem>>) src(%arg14 : memref<128x16xf32, #tpu.memory_space<vmem>>) dst(%dma_wait3A_467 : memref<10240x16xf32, #tpu.memory_space<vmem_shared>>)
      } else {
      }
      %dma_start3A_367 = arith.constant 0 : i32
      %dma_start3A_368 = tpu.memref_slice %arg11[%add3A_332, %dma_start3A_367] : memref<80x128xi32, #tpu.memory_space<vmem>> -> memref<1x128xi32, #tpu.memory_space<vmem>>
      %dma_start3A_369 = tpu.memref_squeeze %dma_start3A_368 : memref<1x128xi32, #tpu.memory_space<vmem>> -> memref<128xi32, #tpu.memory_space<vmem>>
      %dma_start3A_370 = arith.constant 0 : i32
      %dma_start3A_371 = arith.constant 0 : i32
      %dma_start3A_372 = tpu.memref_slice %arg16[%dma_start3A_370, %dma_start3A_371] : memref<10240x16xf32, #tpu.memory_space<vmem_shared>> -> memref<10240x16xf32, #tpu.memory_space<vmem_shared>>
      tpu.enqueue_indirect_dma source(%arg14 : memref<128x16xf32, #tpu.memory_space<vmem>>) target(%dma_start3A_372 : memref<10240x16xf32, #tpu.memory_space<vmem_shared>>) offsets(%dma_start3A_369 : memref<128xi32, #tpu.memory_space<vmem>>) semaphore(%arg29 : memref<!tpu.dma_semaphore, #tpu.memory_space<semaphore_mem>>) {add = true}
      %mul3A_373 = arith.constant 5 : i32
      %mul3A_374 = arith.muli %scan3A_244, %mul3A_373 : i32
      %add3A_375 = arith.constant 3 : i32
      %add3A_376 = arith.addi %mul3A_374, %add3A_375 : i32
      %add3A_377 = arith.constant 3 : i32
      %add3A_378 = arith.addi %add3A_376, %add3A_377 : i32
      %lt3A_379 = arith.constant 80 : i32
      %lt3A_380 = arith.cmpi slt, %add3A_378, %lt3A_379 : i32
      %convert_element_type3A_381 = arith.extui %lt3A_380 : i1 to i32
      %cond3A_382 = arith.constant 0 : i32
      %cond3A_383 = arith.cmpi ne, %convert_element_type3A_381, %cond3A_382 : i32
      scf.if %cond3A_383 {
        %ge3A_461 = arith.constant 5 : i32
        %ge3A_462 = arith.cmpi sge, %add3A_378, %ge3A_461 : i32
        %convert_element_type3A_463 = arith.extui %ge3A_462 : i1 to i32
        %cond3A_464 = arith.constant 0 : i32
        %cond3A_465 = arith.cmpi ne, %convert_element_type3A_463, %cond3A_464 : i32
        scf.if %cond3A_465 {
          %dma_wait3A_477 = arith.constant 1 : i32
          %dma_wait3A_478 = arith.constant 0 : i32
          %dma_wait3A_479 = arith.constant 0 : i32
          %dma_wait3A_480 = arith.constant 0 : i32
          %dma_wait3A_481 = tpu.memref_slice %arg13[%dma_wait3A_477, %dma_wait3A_479, %dma_wait3A_480] : memref<5x128x64xf32, #tpu.memory_space<vmem>> -> memref<1x128x64xf32, #tpu.memory_space<vmem>>
          %dma_wait3A_482 = tpu.memref_squeeze %dma_wait3A_481 : memref<1x128x64xf32, #tpu.memory_space<vmem>> -> memref<128x64xf32, #tpu.memory_space<vmem>>
          %dma_wait3A_483 = arith.constant 0 : i32
          %dma_wait3A_484 = tpu.memref_slice %arg11[%dma_wait3A_478, %dma_wait3A_483] : memref<80x128xi32, #tpu.memory_space<vmem>> -> memref<1x128xi32, #tpu.memory_space<vmem>>
          %dma_wait3A_485 = tpu.memref_squeeze %dma_wait3A_484 : memref<1x128xi32, #tpu.memory_space<vmem>> -> memref<128xi32, #tpu.memory_space<vmem>>
          %dma_wait3A_486 = arith.constant 0 : i32
          %dma_wait3A_487 = arith.constant 0 : i32
          %dma_wait3A_488 = tpu.memref_slice %arg15[%dma_wait3A_486, %dma_wait3A_487] : memref<10240x64xf32, #tpu.memory_space<vmem_shared>> -> memref<10240x64xf32, #tpu.memory_space<vmem_shared>>
          tpu.wait_indirect_dma semaphore(%arg23 : memref<!tpu.dma_semaphore, #tpu.memory_space<semaphore_mem>>) src(%dma_wait3A_482 : memref<128x64xf32, #tpu.memory_space<vmem>>) dst(%dma_wait3A_488 : memref<10240x64xf32, #tpu.memory_space<vmem_shared>>)
        } else {
        }
        %dma_start3A_466 = arith.constant 1 : i32
        %dma_start3A_467 = arith.constant 0 : i32
        %dma_start3A_468 = arith.constant 0 : i32
        %dma_start3A_469 = tpu.memref_slice %arg13[%dma_start3A_466, %dma_start3A_467, %dma_start3A_468] : memref<5x128x64xf32, #tpu.memory_space<vmem>> -> memref<1x128x64xf32, #tpu.memory_space<vmem>>
        %dma_start3A_470 = tpu.memref_squeeze %dma_start3A_469 : memref<1x128x64xf32, #tpu.memory_space<vmem>> -> memref<128x64xf32, #tpu.memory_space<vmem>>
        %dma_start3A_471 = arith.constant 0 : i32
        %dma_start3A_472 = tpu.memref_slice %arg12[%add3A_378, %dma_start3A_471] : memref<80x128xi32, #tpu.memory_space<vmem>> -> memref<1x128xi32, #tpu.memory_space<vmem>>
        %dma_start3A_473 = tpu.memref_squeeze %dma_start3A_472 : memref<1x128xi32, #tpu.memory_space<vmem>> -> memref<128xi32, #tpu.memory_space<vmem>>
        %dma_start3A_474 = arith.constant 0 : i32
        %dma_start3A_475 = arith.constant 0 : i32
        %dma_start3A_476 = tpu.memref_slice %arg2[%dma_start3A_474, %dma_start3A_475] : memref<10000x64xf32, #tpu.memory_space<hbm>> -> memref<10000x64xf32, #tpu.memory_space<hbm>>
        tpu.enqueue_indirect_dma source(%dma_start3A_476 : memref<10000x64xf32, #tpu.memory_space<hbm>>) target(%dma_start3A_470 : memref<128x64xf32, #tpu.memory_space<vmem>>) offsets(%dma_start3A_473 : memref<128xi32, #tpu.memory_space<vmem>>) semaphore(%arg18 : memref<!tpu.dma_semaphore, #tpu.memory_space<semaphore_mem>>)
      } else {
      }
      %dma_wait3A_384 = arith.constant 3 : i32
      %dma_wait3A_385 = arith.constant 0 : i32
      %dma_wait3A_386 = arith.constant 0 : i32
      %dma_wait3A_387 = tpu.memref_slice %arg13[%dma_wait3A_384, %dma_wait3A_385, %dma_wait3A_386] : memref<5x128x64xf32, #tpu.memory_space<vmem>> -> memref<1x128x64xf32, #tpu.memory_space<vmem>>
      %dma_wait3A_388 = tpu.memref_squeeze %dma_wait3A_387 : memref<1x128x64xf32, #tpu.memory_space<vmem>> -> memref<128x64xf32, #tpu.memory_space<vmem>>
      %dma_wait3A_389 = arith.constant 0 : i32
      %dma_wait3A_390 = tpu.memref_slice %arg12[%add3A_376, %dma_wait3A_389] : memref<80x128xi32, #tpu.memory_space<vmem>> -> memref<1x128xi32, #tpu.memory_space<vmem>>
      %dma_wait3A_391 = tpu.memref_squeeze %dma_wait3A_390 : memref<1x128xi32, #tpu.memory_space<vmem>> -> memref<128xi32, #tpu.memory_space<vmem>>
      %dma_wait3A_392 = arith.constant 0 : i32
      %dma_wait3A_393 = arith.constant 0 : i32
      %dma_wait3A_394 = tpu.memref_slice %arg2[%dma_wait3A_392, %dma_wait3A_393] : memref<10000x64xf32, #tpu.memory_space<hbm>> -> memref<10000x64xf32, #tpu.memory_space<hbm>>
      tpu.wait_indirect_dma semaphore(%arg20 : memref<!tpu.dma_semaphore, #tpu.memory_space<semaphore_mem>>) src(%dma_wait3A_394 : memref<10000x64xf32, #tpu.memory_space<hbm>>) dst(%dma_wait3A_388 : memref<128x64xf32, #tpu.memory_space<vmem>>)
      %dma_start3A_395 = arith.constant 3 : i32
      %dma_start3A_396 = arith.constant 0 : i32
      %dma_start3A_397 = arith.constant 0 : i32
      %dma_start3A_398 = tpu.memref_slice %arg13[%dma_start3A_395, %dma_start3A_396, %dma_start3A_397] : memref<5x128x64xf32, #tpu.memory_space<vmem>> -> memref<1x128x64xf32, #tpu.memory_space<vmem>>
      %dma_start3A_399 = tpu.memref_squeeze %dma_start3A_398 : memref<1x128x64xf32, #tpu.memory_space<vmem>> -> memref<128x64xf32, #tpu.memory_space<vmem>>
      %dma_start3A_400 = arith.constant 0 : i32
      %dma_start3A_401 = tpu.memref_slice %arg11[%add3A_376, %dma_start3A_400] : memref<80x128xi32, #tpu.memory_space<vmem>> -> memref<1x128xi32, #tpu.memory_space<vmem>>
      %dma_start3A_402 = tpu.memref_squeeze %dma_start3A_401 : memref<1x128xi32, #tpu.memory_space<vmem>> -> memref<128xi32, #tpu.memory_space<vmem>>
      %dma_start3A_403 = arith.constant 0 : i32
      %dma_start3A_404 = arith.constant 0 : i32
      %dma_start3A_405 = tpu.memref_slice %arg15[%dma_start3A_403, %dma_start3A_404] : memref<10240x64xf32, #tpu.memory_space<vmem_shared>> -> memref<10240x64xf32, #tpu.memory_space<vmem_shared>>
      tpu.enqueue_indirect_dma source(%dma_start3A_399 : memref<128x64xf32, #tpu.memory_space<vmem>>) target(%dma_start3A_405 : memref<10240x64xf32, #tpu.memory_space<vmem_shared>>) offsets(%dma_start3A_402 : memref<128xi32, #tpu.memory_space<vmem>>) semaphore(%arg25 : memref<!tpu.dma_semaphore, #tpu.memory_space<semaphore_mem>>) {add = true}
      %ge3A_406 = arith.constant 5 : i32
      %ge3A_407 = arith.cmpi sge, %add3A_376, %ge3A_406 : i32
      %convert_element_type3A_408 = arith.extui %ge3A_407 : i1 to i32
      %cond3A_409 = arith.constant 0 : i32
      %cond3A_410 = arith.cmpi ne, %convert_element_type3A_408, %cond3A_409 : i32
      scf.if %cond3A_410 {
        %dma_wait3A_461 = arith.constant 0 : i32
        %dma_wait3A_462 = arith.constant 0 : i32
        %dma_wait3A_463 = tpu.memref_slice %arg11[%dma_wait3A_461, %dma_wait3A_462] : memref<80x128xi32, #tpu.memory_space<vmem>> -> memref<1x128xi32, #tpu.memory_space<vmem>>
        %dma_wait3A_464 = tpu.memref_squeeze %dma_wait3A_463 : memref<1x128xi32, #tpu.memory_space<vmem>> -> memref<128xi32, #tpu.memory_space<vmem>>
        %dma_wait3A_465 = arith.constant 0 : i32
        %dma_wait3A_466 = arith.constant 0 : i32
        %dma_wait3A_467 = tpu.memref_slice %arg16[%dma_wait3A_465, %dma_wait3A_466] : memref<10240x16xf32, #tpu.memory_space<vmem_shared>> -> memref<10240x16xf32, #tpu.memory_space<vmem_shared>>
        tpu.wait_indirect_dma semaphore(%arg30 : memref<!tpu.dma_semaphore, #tpu.memory_space<semaphore_mem>>) src(%arg14 : memref<128x16xf32, #tpu.memory_space<vmem>>) dst(%dma_wait3A_467 : memref<10240x16xf32, #tpu.memory_space<vmem_shared>>)
      } else {
      }
      %dma_start3A_411 = arith.constant 0 : i32
      %dma_start3A_412 = tpu.memref_slice %arg11[%add3A_376, %dma_start3A_411] : memref<80x128xi32, #tpu.memory_space<vmem>> -> memref<1x128xi32, #tpu.memory_space<vmem>>
      %dma_start3A_413 = tpu.memref_squeeze %dma_start3A_412 : memref<1x128xi32, #tpu.memory_space<vmem>> -> memref<128xi32, #tpu.memory_space<vmem>>
      %dma_start3A_414 = arith.constant 0 : i32
      %dma_start3A_415 = arith.constant 0 : i32
      %dma_start3A_416 = tpu.memref_slice %arg16[%dma_start3A_414, %dma_start3A_415] : memref<10240x16xf32, #tpu.memory_space<vmem_shared>> -> memref<10240x16xf32, #tpu.memory_space<vmem_shared>>
      tpu.enqueue_indirect_dma source(%arg14 : memref<128x16xf32, #tpu.memory_space<vmem>>) target(%dma_start3A_416 : memref<10240x16xf32, #tpu.memory_space<vmem_shared>>) offsets(%dma_start3A_413 : memref<128xi32, #tpu.memory_space<vmem>>) semaphore(%arg30 : memref<!tpu.dma_semaphore, #tpu.memory_space<semaphore_mem>>) {add = true}
      %mul3A_417 = arith.constant 5 : i32
      %mul3A_418 = arith.muli %scan3A_244, %mul3A_417 : i32
      %add3A_419 = arith.constant 4 : i32
      %add3A_420 = arith.addi %mul3A_418, %add3A_419 : i32
      %add3A_421 = arith.constant 3 : i32
      %add3A_422 = arith.addi %add3A_420, %add3A_421 : i32
      %lt3A_423 = arith.constant 80 : i32
      %lt3A_424 = arith.cmpi slt, %add3A_422, %lt3A_423 : i32
      %convert_element_type3A_425 = arith.extui %lt3A_424 : i1 to i32
      %cond3A_426 = arith.constant 0 : i32
      %cond3A_427 = arith.cmpi ne, %convert_element_type3A_425, %cond3A_426 : i32
      scf.if %cond3A_427 {
        %ge3A_461 = arith.constant 5 : i32
        %ge3A_462 = arith.cmpi sge, %add3A_422, %ge3A_461 : i32
        %convert_element_type3A_463 = arith.extui %ge3A_462 : i1 to i32
        %cond3A_464 = arith.constant 0 : i32
        %cond3A_465 = arith.cmpi ne, %convert_element_type3A_463, %cond3A_464 : i32
        scf.if %cond3A_465 {
          %dma_wait3A_477 = arith.constant 2 : i32
          %dma_wait3A_478 = arith.constant 0 : i32
          %dma_wait3A_479 = arith.constant 0 : i32
          %dma_wait3A_480 = arith.constant 0 : i32
          %dma_wait3A_481 = tpu.memref_slice %arg13[%dma_wait3A_477, %dma_wait3A_479, %dma_wait3A_480] : memref<5x128x64xf32, #tpu.memory_space<vmem>> -> memref<1x128x64xf32, #tpu.memory_space<vmem>>
          %dma_wait3A_482 = tpu.memref_squeeze %dma_wait3A_481 : memref<1x128x64xf32, #tpu.memory_space<vmem>> -> memref<128x64xf32, #tpu.memory_space<vmem>>
          %dma_wait3A_483 = arith.constant 0 : i32
          %dma_wait3A_484 = tpu.memref_slice %arg11[%dma_wait3A_478, %dma_wait3A_483] : memref<80x128xi32, #tpu.memory_space<vmem>> -> memref<1x128xi32, #tpu.memory_space<vmem>>
          %dma_wait3A_485 = tpu.memref_squeeze %dma_wait3A_484 : memref<1x128xi32, #tpu.memory_space<vmem>> -> memref<128xi32, #tpu.memory_space<vmem>>
          %dma_wait3A_486 = arith.constant 0 : i32
          %dma_wait3A_487 = arith.constant 0 : i32
          %dma_wait3A_488 = tpu.memref_slice %arg15[%dma_wait3A_486, %dma_wait3A_487] : memref<10240x64xf32, #tpu.memory_space<vmem_shared>> -> memref<10240x64xf32, #tpu.memory_space<vmem_shared>>
          tpu.wait_indirect_dma semaphore(%arg24 : memref<!tpu.dma_semaphore, #tpu.memory_space<semaphore_mem>>) src(%dma_wait3A_482 : memref<128x64xf32, #tpu.memory_space<vmem>>) dst(%dma_wait3A_488 : memref<10240x64xf32, #tpu.memory_space<vmem_shared>>)
        } else {
        }
        %dma_start3A_466 = arith.constant 2 : i32
        %dma_start3A_467 = arith.constant 0 : i32
        %dma_start3A_468 = arith.constant 0 : i32
        %dma_start3A_469 = tpu.memref_slice %arg13[%dma_start3A_466, %dma_start3A_467, %dma_start3A_468] : memref<5x128x64xf32, #tpu.memory_space<vmem>> -> memref<1x128x64xf32, #tpu.memory_space<vmem>>
        %dma_start3A_470 = tpu.memref_squeeze %dma_start3A_469 : memref<1x128x64xf32, #tpu.memory_space<vmem>> -> memref<128x64xf32, #tpu.memory_space<vmem>>
        %dma_start3A_471 = arith.constant 0 : i32
        %dma_start3A_472 = tpu.memref_slice %arg12[%add3A_422, %dma_start3A_471] : memref<80x128xi32, #tpu.memory_space<vmem>> -> memref<1x128xi32, #tpu.memory_space<vmem>>
        %dma_start3A_473 = tpu.memref_squeeze %dma_start3A_472 : memref<1x128xi32, #tpu.memory_space<vmem>> -> memref<128xi32, #tpu.memory_space<vmem>>
        %dma_start3A_474 = arith.constant 0 : i32
        %dma_start3A_475 = arith.constant 0 : i32
        %dma_start3A_476 = tpu.memref_slice %arg2[%dma_start3A_474, %dma_start3A_475] : memref<10000x64xf32, #tpu.memory_space<hbm>> -> memref<10000x64xf32, #tpu.memory_space<hbm>>
        tpu.enqueue_indirect_dma source(%dma_start3A_476 : memref<10000x64xf32, #tpu.memory_space<hbm>>) target(%dma_start3A_470 : memref<128x64xf32, #tpu.memory_space<vmem>>) offsets(%dma_start3A_473 : memref<128xi32, #tpu.memory_space<vmem>>) semaphore(%arg19 : memref<!tpu.dma_semaphore, #tpu.memory_space<semaphore_mem>>)
      } else {
      }
      %dma_wait3A_428 = arith.constant 4 : i32
      %dma_wait3A_429 = arith.constant 0 : i32
      %dma_wait3A_430 = arith.constant 0 : i32
      %dma_wait3A_431 = tpu.memref_slice %arg13[%dma_wait3A_428, %dma_wait3A_429, %dma_wait3A_430] : memref<5x128x64xf32, #tpu.memory_space<vmem>> -> memref<1x128x64xf32, #tpu.memory_space<vmem>>
      %dma_wait3A_432 = tpu.memref_squeeze %dma_wait3A_431 : memref<1x128x64xf32, #tpu.memory_space<vmem>> -> memref<128x64xf32, #tpu.memory_space<vmem>>
      %dma_wait3A_433 = arith.constant 0 : i32
      %dma_wait3A_434 = tpu.memref_slice %arg12[%add3A_420, %dma_wait3A_433] : memref<80x128xi32, #tpu.memory_space<vmem>> -> memref<1x128xi32, #tpu.memory_space<vmem>>
      %dma_wait3A_435 = tpu.memref_squeeze %dma_wait3A_434 : memref<1x128xi32, #tpu.memory_space<vmem>> -> memref<128xi32, #tpu.memory_space<vmem>>
      %dma_wait3A_436 = arith.constant 0 : i32
      %dma_wait3A_437 = arith.constant 0 : i32
      %dma_wait3A_438 = tpu.memref_slice %arg2[%dma_wait3A_436, %dma_wait3A_437] : memref<10000x64xf32, #tpu.memory_space<hbm>> -> memref<10000x64xf32, #tpu.memory_space<hbm>>
      tpu.wait_indirect_dma semaphore(%arg21 : memref<!tpu.dma_semaphore, #tpu.memory_space<semaphore_mem>>) src(%dma_wait3A_438 : memref<10000x64xf32, #tpu.memory_space<hbm>>) dst(%dma_wait3A_432 : memref<128x64xf32, #tpu.memory_space<vmem>>)
      %dma_start3A_439 = arith.constant 4 : i32
      %dma_start3A_440 = arith.constant 0 : i32
      %dma_start3A_441 = arith.constant 0 : i32
      %dma_start3A_442 = tpu.memref_slice %arg13[%dma_start3A_439, %dma_start3A_440, %dma_start3A_441] : memref<5x128x64xf32, #tpu.memory_space<vmem>> -> memref<1x128x64xf32, #tpu.memory_space<vmem>>
      %dma_start3A_443 = tpu.memref_squeeze %dma_start3A_442 : memref<1x128x64xf32, #tpu.memory_space<vmem>> -> memref<128x64xf32, #tpu.memory_space<vmem>>
      %dma_start3A_444 = arith.constant 0 : i32
      %dma_start3A_445 = tpu.memref_slice %arg11[%add3A_420, %dma_start3A_444] : memref<80x128xi32, #tpu.memory_space<vmem>> -> memref<1x128xi32, #tpu.memory_space<vmem>>
      %dma_start3A_446 = tpu.memref_squeeze %dma_start3A_445 : memref<1x128xi32, #tpu.memory_space<vmem>> -> memref<128xi32, #tpu.memory_space<vmem>>
      %dma_start3A_447 = arith.constant 0 : i32
      %dma_start3A_448 = arith.constant 0 : i32
      %dma_start3A_449 = tpu.memref_slice %arg15[%dma_start3A_447, %dma_start3A_448] : memref<10240x64xf32, #tpu.memory_space<vmem_shared>> -> memref<10240x64xf32, #tpu.memory_space<vmem_shared>>
      tpu.enqueue_indirect_dma source(%dma_start3A_443 : memref<128x64xf32, #tpu.memory_space<vmem>>) target(%dma_start3A_449 : memref<10240x64xf32, #tpu.memory_space<vmem_shared>>) offsets(%dma_start3A_446 : memref<128xi32, #tpu.memory_space<vmem>>) semaphore(%arg26 : memref<!tpu.dma_semaphore, #tpu.memory_space<semaphore_mem>>) {add = true}
      %ge3A_450 = arith.constant 5 : i32
      %ge3A_451 = arith.cmpi sge, %add3A_420, %ge3A_450 : i32
      %convert_element_type3A_452 = arith.extui %ge3A_451 : i1 to i32
      %cond3A_453 = arith.constant 0 : i32
      %cond3A_454 = arith.cmpi ne, %convert_element_type3A_452, %cond3A_453 : i32
      scf.if %cond3A_454 {
        %dma_wait3A_461 = arith.constant 0 : i32
        %dma_wait3A_462 = arith.constant 0 : i32
        %dma_wait3A_463 = tpu.memref_slice %arg11[%dma_wait3A_461, %dma_wait3A_462] : memref<80x128xi32, #tpu.memory_space<vmem>> -> memref<1x128xi32, #tpu.memory_space<vmem>>
        %dma_wait3A_464 = tpu.memref_squeeze %dma_wait3A_463 : memref<1x128xi32, #tpu.memory_space<vmem>> -> memref<128xi32, #tpu.memory_space<vmem>>
        %dma_wait3A_465 = arith.constant 0 : i32
        %dma_wait3A_466 = arith.constant 0 : i32
        %dma_wait3A_467 = tpu.memref_slice %arg16[%dma_wait3A_465, %dma_wait3A_466] : memref<10240x16xf32, #tpu.memory_space<vmem_shared>> -> memref<10240x16xf32, #tpu.memory_space<vmem_shared>>
        tpu.wait_indirect_dma semaphore(%arg31 : memref<!tpu.dma_semaphore, #tpu.memory_space<semaphore_mem>>) src(%arg14 : memref<128x16xf32, #tpu.memory_space<vmem>>) dst(%dma_wait3A_467 : memref<10240x16xf32, #tpu.memory_space<vmem_shared>>)
      } else {
      }
      %dma_start3A_455 = arith.constant 0 : i32
      %dma_start3A_456 = tpu.memref_slice %arg11[%add3A_420, %dma_start3A_455] : memref<80x128xi32, #tpu.memory_space<vmem>> -> memref<1x128xi32, #tpu.memory_space<vmem>>
      %dma_start3A_457 = tpu.memref_squeeze %dma_start3A_456 : memref<1x128xi32, #tpu.memory_space<vmem>> -> memref<128xi32, #tpu.memory_space<vmem>>
      %dma_start3A_458 = arith.constant 0 : i32
      %dma_start3A_459 = arith.constant 0 : i32
      %dma_start3A_460 = tpu.memref_slice %arg16[%dma_start3A_458, %dma_start3A_459] : memref<10240x16xf32, #tpu.memory_space<vmem_shared>> -> memref<10240x16xf32, #tpu.memory_space<vmem_shared>>
      tpu.enqueue_indirect_dma source(%arg14 : memref<128x16xf32, #tpu.memory_space<vmem>>) target(%dma_start3A_460 : memref<10240x16xf32, #tpu.memory_space<vmem_shared>>) offsets(%dma_start3A_457 : memref<128xi32, #tpu.memory_space<vmem>>) semaphore(%arg31 : memref<!tpu.dma_semaphore, #tpu.memory_space<semaphore_mem>>) {add = true}
    }
    %scan3A_42 = arith.constant 16 : i32
    %dma_wait3A = arith.constant 0 : i32
    %dma_wait3A_43 = arith.constant 0 : i32
    %dma_wait3A_44 = arith.constant 0 : i32
    %dma_wait3A_45 = arith.constant 0 : i32
    %dma_wait3A_46 = tpu.memref_slice %arg13[%dma_wait3A, %dma_wait3A_44, %dma_wait3A_45] : memref<5x128x64xf32, #tpu.memory_space<vmem>> -> memref<1x128x64xf32, #tpu.memory_space<vmem>>
    %dma_wait3A_47 = tpu.memref_squeeze %dma_wait3A_46 : memref<1x128x64xf32, #tpu.memory_space<vmem>> -> memref<128x64xf32, #tpu.memory_space<vmem>>
    %dma_wait3A_48 = arith.constant 0 : i32
    %dma_wait3A_49 = tpu.memref_slice %arg11[%dma_wait3A_43, %dma_wait3A_48] : memref<80x128xi32, #tpu.memory_space<vmem>> -> memref<1x128xi32, #tpu.memory_space<vmem>>
    %dma_wait3A_50 = tpu.memref_squeeze %dma_wait3A_49 : memref<1x128xi32, #tpu.memory_space<vmem>> -> memref<128xi32, #tpu.memory_space<vmem>>
    %dma_wait3A_51 = arith.constant 0 : i32
    %dma_wait3A_52 = arith.constant 0 : i32
    %dma_wait3A_53 = tpu.memref_slice %arg15[%dma_wait3A_51, %dma_wait3A_52] : memref<10240x64xf32, #tpu.memory_space<vmem_shared>> -> memref<10240x64xf32, #tpu.memory_space<vmem_shared>>
    tpu.wait_indirect_dma semaphore(%arg22 : memref<!tpu.dma_semaphore, #tpu.memory_space<semaphore_mem>>) src(%dma_wait3A_47 : memref<128x64xf32, #tpu.memory_space<vmem>>) dst(%dma_wait3A_53 : memref<10240x64xf32, #tpu.memory_space<vmem_shared>>)
    %dma_wait3A_54 = arith.constant 0 : i32
    %dma_wait3A_55 = arith.constant 0 : i32
    %dma_wait3A_56 = tpu.memref_slice %arg11[%dma_wait3A_54, %dma_wait3A_55] : memref<80x128xi32, #tpu.memory_space<vmem>> -> memref<1x128xi32, #tpu.memory_space<vmem>>
    %dma_wait3A_57 = tpu.memref_squeeze %dma_wait3A_56 : memref<1x128xi32, #tpu.memory_space<vmem>> -> memref<128xi32, #tpu.memory_space<vmem>>
    %dma_wait3A_58 = arith.constant 0 : i32
    %dma_wait3A_59 = arith.constant 0 : i32
    %dma_wait3A_60 = tpu.memref_slice %arg16[%dma_wait3A_58, %dma_wait3A_59] : memref<10240x16xf32, #tpu.memory_space<vmem_shared>> -> memref<10240x16xf32, #tpu.memory_space<vmem_shared>>
    tpu.wait_indirect_dma semaphore(%arg27 : memref<!tpu.dma_semaphore, #tpu.memory_space<semaphore_mem>>) src(%arg14 : memref<128x16xf32, #tpu.memory_space<vmem>>) dst(%dma_wait3A_60 : memref<10240x16xf32, #tpu.memory_space<vmem_shared>>)
    %dma_wait3A_61 = arith.constant 1 : i32
    %dma_wait3A_62 = arith.constant 0 : i32
    %dma_wait3A_63 = arith.constant 0 : i32
    %dma_wait3A_64 = arith.constant 0 : i32
    %dma_wait3A_65 = tpu.memref_slice %arg13[%dma_wait3A_61, %dma_wait3A_63, %dma_wait3A_64] : memref<5x128x64xf32, #tpu.memory_space<vmem>> -> memref<1x128x64xf32, #tpu.memory_space<vmem>>
    %dma_wait3A_66 = tpu.memref_squeeze %dma_wait3A_65 : memref<1x128x64xf32, #tpu.memory_space<vmem>> -> memref<128x64xf32, #tpu.memory_space<vmem>>
    %dma_wait3A_67 = arith.constant 0 : i32
    %dma_wait3A_68 = tpu.memref_slice %arg11[%dma_wait3A_62, %dma_wait3A_67] : memref<80x128xi32, #tpu.memory_space<vmem>> -> memref<1x128xi32, #tpu.memory_space<vmem>>
    %dma_wait3A_69 = tpu.memref_squeeze %dma_wait3A_68 : memref<1x128xi32, #tpu.memory_space<vmem>> -> memref<128xi32, #tpu.memory_space<vmem>>
    %dma_wait3A_70 = arith.constant 0 : i32
    %dma_wait3A_71 = arith.constant 0 : i32
    %dma_wait3A_72 = tpu.memref_slice %arg15[%dma_wait3A_70, %dma_wait3A_71] : memref<10240x64xf32, #tpu.memory_space<vmem_shared>> -> memref<10240x64xf32, #tpu.memory_space<vmem_shared>>
    tpu.wait_indirect_dma semaphore(%arg23 : memref<!tpu.dma_semaphore, #tpu.memory_space<semaphore_mem>>) src(%dma_wait3A_66 : memref<128x64xf32, #tpu.memory_space<vmem>>) dst(%dma_wait3A_72 : memref<10240x64xf32, #tpu.memory_space<vmem_shared>>)
    %dma_wait3A_73 = arith.constant 0 : i32
    %dma_wait3A_74 = arith.constant 0 : i32
    %dma_wait3A_75 = tpu.memref_slice %arg11[%dma_wait3A_73, %dma_wait3A_74] : memref<80x128xi32, #tpu.memory_space<vmem>> -> memref<1x128xi32, #tpu.memory_space<vmem>>
    %dma_wait3A_76 = tpu.memref_squeeze %dma_wait3A_75 : memref<1x128xi32, #tpu.memory_space<vmem>> -> memref<128xi32, #tpu.memory_space<vmem>>
    %dma_wait3A_77 = arith.constant 0 : i32
    %dma_wait3A_78 = arith.constant 0 : i32
    %dma_wait3A_79 = tpu.memref_slice %arg16[%dma_wait3A_77, %dma_wait3A_78] : memref<10240x16xf32, #tpu.memory_space<vmem_shared>> -> memref<10240x16xf32, #tpu.memory_space<vmem_shared>>
    tpu.wait_indirect_dma semaphore(%arg28 : memref<!tpu.dma_semaphore, #tpu.memory_space<semaphore_mem>>) src(%arg14 : memref<128x16xf32, #tpu.memory_space<vmem>>) dst(%dma_wait3A_79 : memref<10240x16xf32, #tpu.memory_space<vmem_shared>>)
    %dma_wait3A_80 = arith.constant 2 : i32
    %dma_wait3A_81 = arith.constant 0 : i32
    %dma_wait3A_82 = arith.constant 0 : i32
    %dma_wait3A_83 = arith.constant 0 : i32
    %dma_wait3A_84 = tpu.memref_slice %arg13[%dma_wait3A_80, %dma_wait3A_82, %dma_wait3A_83] : memref<5x128x64xf32, #tpu.memory_space<vmem>> -> memref<1x128x64xf32, #tpu.memory_space<vmem>>
    %dma_wait3A_85 = tpu.memref_squeeze %dma_wait3A_84 : memref<1x128x64xf32, #tpu.memory_space<vmem>> -> memref<128x64xf32, #tpu.memory_space<vmem>>
    %dma_wait3A_86 = arith.constant 0 : i32
    %dma_wait3A_87 = tpu.memref_slice %arg11[%dma_wait3A_81, %dma_wait3A_86] : memref<80x128xi32, #tpu.memory_space<vmem>> -> memref<1x128xi32, #tpu.memory_space<vmem>>
    %dma_wait3A_88 = tpu.memref_squeeze %dma_wait3A_87 : memref<1x128xi32, #tpu.memory_space<vmem>> -> memref<128xi32, #tpu.memory_space<vmem>>
    %dma_wait3A_89 = arith.constant 0 : i32
    %dma_wait3A_90 = arith.constant 0 : i32
    %dma_wait3A_91 = tpu.memref_slice %arg15[%dma_wait3A_89, %dma_wait3A_90] : memref<10240x64xf32, #tpu.memory_space<vmem_shared>> -> memref<10240x64xf32, #tpu.memory_space<vmem_shared>>
    tpu.wait_indirect_dma semaphore(%arg24 : memref<!tpu.dma_semaphore, #tpu.memory_space<semaphore_mem>>) src(%dma_wait3A_85 : memref<128x64xf32, #tpu.memory_space<vmem>>) dst(%dma_wait3A_91 : memref<10240x64xf32, #tpu.memory_space<vmem_shared>>)
    %dma_wait3A_92 = arith.constant 0 : i32
    %dma_wait3A_93 = arith.constant 0 : i32
    %dma_wait3A_94 = tpu.memref_slice %arg11[%dma_wait3A_92, %dma_wait3A_93] : memref<80x128xi32, #tpu.memory_space<vmem>> -> memref<1x128xi32, #tpu.memory_space<vmem>>
    %dma_wait3A_95 = tpu.memref_squeeze %dma_wait3A_94 : memref<1x128xi32, #tpu.memory_space<vmem>> -> memref<128xi32, #tpu.memory_space<vmem>>
    %dma_wait3A_96 = arith.constant 0 : i32
    %dma_wait3A_97 = arith.constant 0 : i32
    %dma_wait3A_98 = tpu.memref_slice %arg16[%dma_wait3A_96, %dma_wait3A_97] : memref<10240x16xf32, #tpu.memory_space<vmem_shared>> -> memref<10240x16xf32, #tpu.memory_space<vmem_shared>>
    tpu.wait_indirect_dma semaphore(%arg29 : memref<!tpu.dma_semaphore, #tpu.memory_space<semaphore_mem>>) src(%arg14 : memref<128x16xf32, #tpu.memory_space<vmem>>) dst(%dma_wait3A_98 : memref<10240x16xf32, #tpu.memory_space<vmem_shared>>)
    %dma_wait3A_99 = arith.constant 3 : i32
    %dma_wait3A_100 = arith.constant 0 : i32
    %dma_wait3A_101 = arith.constant 0 : i32
    %dma_wait3A_102 = arith.constant 0 : i32
    %dma_wait3A_103 = tpu.memref_slice %arg13[%dma_wait3A_99, %dma_wait3A_101, %dma_wait3A_102] : memref<5x128x64xf32, #tpu.memory_space<vmem>> -> memref<1x128x64xf32, #tpu.memory_space<vmem>>
    %dma_wait3A_104 = tpu.memref_squeeze %dma_wait3A_103 : memref<1x128x64xf32, #tpu.memory_space<vmem>> -> memref<128x64xf32, #tpu.memory_space<vmem>>
    %dma_wait3A_105 = arith.constant 0 : i32
    %dma_wait3A_106 = tpu.memref_slice %arg11[%dma_wait3A_100, %dma_wait3A_105] : memref<80x128xi32, #tpu.memory_space<vmem>> -> memref<1x128xi32, #tpu.memory_space<vmem>>
    %dma_wait3A_107 = tpu.memref_squeeze %dma_wait3A_106 : memref<1x128xi32, #tpu.memory_space<vmem>> -> memref<128xi32, #tpu.memory_space<vmem>>
    %dma_wait3A_108 = arith.constant 0 : i32
    %dma_wait3A_109 = arith.constant 0 : i32
    %dma_wait3A_110 = tpu.memref_slice %arg15[%dma_wait3A_108, %dma_wait3A_109] : memref<10240x64xf32, #tpu.memory_space<vmem_shared>> -> memref<10240x64xf32, #tpu.memory_space<vmem_shared>>
    tpu.wait_indirect_dma semaphore(%arg25 : memref<!tpu.dma_semaphore, #tpu.memory_space<semaphore_mem>>) src(%dma_wait3A_104 : memref<128x64xf32, #tpu.memory_space<vmem>>) dst(%dma_wait3A_110 : memref<10240x64xf32, #tpu.memory_space<vmem_shared>>)
    %dma_wait3A_111 = arith.constant 0 : i32
    %dma_wait3A_112 = arith.constant 0 : i32
    %dma_wait3A_113 = tpu.memref_slice %arg11[%dma_wait3A_111, %dma_wait3A_112] : memref<80x128xi32, #tpu.memory_space<vmem>> -> memref<1x128xi32, #tpu.memory_space<vmem>>
    %dma_wait3A_114 = tpu.memref_squeeze %dma_wait3A_113 : memref<1x128xi32, #tpu.memory_space<vmem>> -> memref<128xi32, #tpu.memory_space<vmem>>
    %dma_wait3A_115 = arith.constant 0 : i32
    %dma_wait3A_116 = arith.constant 0 : i32
    %dma_wait3A_117 = tpu.memref_slice %arg16[%dma_wait3A_115, %dma_wait3A_116] : memref<10240x16xf32, #tpu.memory_space<vmem_shared>> -> memref<10240x16xf32, #tpu.memory_space<vmem_shared>>
    tpu.wait_indirect_dma semaphore(%arg30 : memref<!tpu.dma_semaphore, #tpu.memory_space<semaphore_mem>>) src(%arg14 : memref<128x16xf32, #tpu.memory_space<vmem>>) dst(%dma_wait3A_117 : memref<10240x16xf32, #tpu.memory_space<vmem_shared>>)
    %dma_wait3A_118 = arith.constant 4 : i32
    %dma_wait3A_119 = arith.constant 0 : i32
    %dma_wait3A_120 = arith.constant 0 : i32
    %dma_wait3A_121 = arith.constant 0 : i32
    %dma_wait3A_122 = tpu.memref_slice %arg13[%dma_wait3A_118, %dma_wait3A_120, %dma_wait3A_121] : memref<5x128x64xf32, #tpu.memory_space<vmem>> -> memref<1x128x64xf32, #tpu.memory_space<vmem>>
    %dma_wait3A_123 = tpu.memref_squeeze %dma_wait3A_122 : memref<1x128x64xf32, #tpu.memory_space<vmem>> -> memref<128x64xf32, #tpu.memory_space<vmem>>
    %dma_wait3A_124 = arith.constant 0 : i32
    %dma_wait3A_125 = tpu.memref_slice %arg11[%dma_wait3A_119, %dma_wait3A_124] : memref<80x128xi32, #tpu.memory_space<vmem>> -> memref<1x128xi32, #tpu.memory_space<vmem>>
    %dma_wait3A_126 = tpu.memref_squeeze %dma_wait3A_125 : memref<1x128xi32, #tpu.memory_space<vmem>> -> memref<128xi32, #tpu.memory_space<vmem>>
    %dma_wait3A_127 = arith.constant 0 : i32
    %dma_wait3A_128 = arith.constant 0 : i32
    %dma_wait3A_129 = tpu.memref_slice %arg15[%dma_wait3A_127, %dma_wait3A_128] : memref<10240x64xf32, #tpu.memory_space<vmem_shared>> -> memref<10240x64xf32, #tpu.memory_space<vmem_shared>>
    tpu.wait_indirect_dma semaphore(%arg26 : memref<!tpu.dma_semaphore, #tpu.memory_space<semaphore_mem>>) src(%dma_wait3A_123 : memref<128x64xf32, #tpu.memory_space<vmem>>) dst(%dma_wait3A_129 : memref<10240x64xf32, #tpu.memory_space<vmem_shared>>)
    %dma_wait3A_130 = arith.constant 0 : i32
    %dma_wait3A_131 = arith.constant 0 : i32
    %dma_wait3A_132 = tpu.memref_slice %arg11[%dma_wait3A_130, %dma_wait3A_131] : memref<80x128xi32, #tpu.memory_space<vmem>> -> memref<1x128xi32, #tpu.memory_space<vmem>>
    %dma_wait3A_133 = tpu.memref_squeeze %dma_wait3A_132 : memref<1x128xi32, #tpu.memory_space<vmem>> -> memref<128xi32, #tpu.memory_space<vmem>>
    %dma_wait3A_134 = arith.constant 0 : i32
    %dma_wait3A_135 = arith.constant 0 : i32
    %dma_wait3A_136 = tpu.memref_slice %arg16[%dma_wait3A_134, %dma_wait3A_135] : memref<10240x16xf32, #tpu.memory_space<vmem_shared>> -> memref<10240x16xf32, #tpu.memory_space<vmem_shared>>
    tpu.wait_indirect_dma semaphore(%arg31 : memref<!tpu.dma_semaphore, #tpu.memory_space<semaphore_mem>>) src(%arg14 : memref<128x16xf32, #tpu.memory_space<vmem>>) dst(%dma_wait3A_136 : memref<10240x16xf32, #tpu.memory_space<vmem_shared>>)
    %barrier3A_137 = arith.constant 0 : index
    tpu.barrier barrier_id(%barrier3A_137)
    %run_scoped3A = arith.constant 0 : i32
    "tpu.region"() ({
      %run_scoped3A_244 = tpu.sem_alloc : memref<!tpu.dma_semaphore, #tpu.memory_space<semaphore_mem>>
      %dma_start3A_245 = arith.constant 0 : i32
      %dma_start3A_246 = tpu.memref_slice %arg9[%arg0, %run_scoped3A, %mul3A_2, %dma_start3A_245] : memref<2x2x10240x64xf32, #tpu.memory_space<hbm>> -> memref<1x1x640x64xf32, #tpu.memory_space<hbm>>
      %dma_start3A_247 = tpu.memref_squeeze %dma_start3A_246 : memref<1x1x640x64xf32, #tpu.memory_space<hbm>> -> memref<640x64xf32, #tpu.memory_space<hbm>>
      %dma_start3A_248 = arith.constant 0 : i32
      %dma_start3A_249 = tpu.memref_slice %arg15[%mul3A_2, %dma_start3A_248] : memref<10240x64xf32, #tpu.memory_space<vmem_shared>> -> memref<640x64xf32, #tpu.memory_space<vmem_shared>>
      tpu.enqueue_dma source(%dma_start3A_249 : memref<640x64xf32, #tpu.memory_space<vmem_shared>>) target(%dma_start3A_247 : memref<640x64xf32, #tpu.memory_space<hbm>>) target_semaphore(%run_scoped3A_244 : memref<!tpu.dma_semaphore, #tpu.memory_space<semaphore_mem>>)
      %dma_wait3A_250 = arith.constant 0 : i32
      %dma_wait3A_251 = tpu.memref_slice %arg9[%arg0, %run_scoped3A, %mul3A_2, %dma_wait3A_250] : memref<2x2x10240x64xf32, #tpu.memory_space<hbm>> -> memref<1x1x640x64xf32, #tpu.memory_space<hbm>>
      %dma_wait3A_252 = tpu.memref_squeeze %dma_wait3A_251 : memref<1x1x640x64xf32, #tpu.memory_space<hbm>> -> memref<640x64xf32, #tpu.memory_space<hbm>>
      %dma_wait3A_253 = arith.constant 0 : i32
      %dma_wait3A_254 = tpu.memref_slice %arg15[%mul3A_2, %dma_wait3A_253] : memref<10240x64xf32, #tpu.memory_space<vmem_shared>> -> memref<640x64xf32, #tpu.memory_space<vmem_shared>>
      tpu.wait_dma2 semaphore(%run_scoped3A_244 : memref<!tpu.dma_semaphore, #tpu.memory_space<semaphore_mem>>) src(%dma_wait3A_254 : memref<640x64xf32, #tpu.memory_space<vmem_shared>>) dst(%dma_wait3A_252 : memref<640x64xf32, #tpu.memory_space<hbm>>)
      tpu.yield
    }) : () -> ()
    "tpu.region"() ({
      %run_scoped3A_244 = tpu.sem_alloc : memref<!tpu.dma_semaphore, #tpu.memory_space<semaphore_mem>>
      %dma_start3A_245 = arith.constant 0 : i32
      %dma_start3A_246 = tpu.memref_slice %arg10[%arg0, %mul3A_2, %dma_start3A_245] : memref<2x10240x16xf32, #tpu.memory_space<hbm>> -> memref<1x640x16xf32, #tpu.memory_space<hbm>>
      %dma_start3A_247 = tpu.memref_squeeze %dma_start3A_246 : memref<1x640x16xf32, #tpu.memory_space<hbm>> -> memref<640x16xf32, #tpu.memory_space<hbm>>
      %dma_start3A_248 = arith.constant 0 : i32
      %dma_start3A_249 = tpu.memref_slice %arg16[%mul3A_2, %dma_start3A_248] : memref<10240x16xf32, #tpu.memory_space<vmem_shared>> -> memref<640x16xf32, #tpu.memory_space<vmem_shared>>
      tpu.enqueue_dma source(%dma_start3A_249 : memref<640x16xf32, #tpu.memory_space<vmem_shared>>) target(%dma_start3A_247 : memref<640x16xf32, #tpu.memory_space<hbm>>) target_semaphore(%run_scoped3A_244 : memref<!tpu.dma_semaphore, #tpu.memory_space<semaphore_mem>>)
      %dma_wait3A_250 = arith.constant 0 : i32
      %dma_wait3A_251 = tpu.memref_slice %arg10[%arg0, %mul3A_2, %dma_wait3A_250] : memref<2x10240x16xf32, #tpu.memory_space<hbm>> -> memref<1x640x16xf32, #tpu.memory_space<hbm>>
      %dma_wait3A_252 = tpu.memref_squeeze %dma_wait3A_251 : memref<1x640x16xf32, #tpu.memory_space<hbm>> -> memref<640x16xf32, #tpu.memory_space<hbm>>
      %dma_wait3A_253 = arith.constant 0 : i32
      %dma_wait3A_254 = tpu.memref_slice %arg16[%mul3A_2, %dma_wait3A_253] : memref<10240x16xf32, #tpu.memory_space<vmem_shared>> -> memref<640x16xf32, #tpu.memory_space<vmem_shared>>
      tpu.wait_dma2 semaphore(%run_scoped3A_244 : memref<!tpu.dma_semaphore, #tpu.memory_space<semaphore_mem>>) src(%dma_wait3A_254 : memref<640x16xf32, #tpu.memory_space<vmem_shared>>) dst(%dma_wait3A_252 : memref<640x16xf32, #tpu.memory_space<hbm>>)
      tpu.yield
    }) : () -> ()
    %barrier3A_138 = arith.constant 0 : index
    tpu.barrier barrier_id(%barrier3A_138)
    "tpu.region"() ({
      %run_scoped3A_244 = tpu.sem_alloc : memref<!tpu.dma_semaphore, #tpu.memory_space<semaphore_mem>>
      %dma_start3A_245 = arith.constant 0 : i32
      %dma_start3A_246 = tpu.memref_slice %arg15[%mul3A_2, %dma_start3A_245] : memref<10240x64xf32, #tpu.memory_space<vmem_shared>> -> memref<640x64xf32, #tpu.memory_space<vmem_shared>>
      tpu.enqueue_dma source(%arg6 : memref<640x64xf32, #tpu.memory_space<hbm>>) target(%dma_start3A_246 : memref<640x64xf32, #tpu.memory_space<vmem_shared>>) target_semaphore(%run_scoped3A_244 : memref<!tpu.dma_semaphore, #tpu.memory_space<semaphore_mem>>)
      %dma_wait3A_247 = arith.constant 0 : i32
      %dma_wait3A_248 = tpu.memref_slice %arg15[%mul3A_2, %dma_wait3A_247] : memref<10240x64xf32, #tpu.memory_space<vmem_shared>> -> memref<640x64xf32, #tpu.memory_space<vmem_shared>>
      tpu.wait_dma2 semaphore(%run_scoped3A_244 : memref<!tpu.dma_semaphore, #tpu.memory_space<semaphore_mem>>) src(%arg6 : memref<640x64xf32, #tpu.memory_space<hbm>>) dst(%dma_wait3A_248 : memref<640x64xf32, #tpu.memory_space<vmem_shared>>)
      tpu.yield
    }) : () -> ()
    %barrier3A_139 = arith.constant 0 : index
    tpu.barrier barrier_id(%barrier3A_139)
    %dma_start3A_140 = arith.constant 0 : i32
    %dma_start3A_141 = arith.constant 0 : i32
    %dma_start3A_142 = arith.constant 0 : i32
    %dma_start3A_143 = arith.constant 0 : i32
    %dma_start3A_144 = tpu.memref_slice %arg13[%dma_start3A_141, %dma_start3A_142, %dma_start3A_143] : memref<5x128x64xf32, #tpu.memory_space<vmem>> -> memref<1x128x64xf32, #tpu.memory_space<vmem>>
    %dma_start3A_145 = tpu.memref_squeeze %dma_start3A_144 : memref<1x128x64xf32, #tpu.memory_space<vmem>> -> memref<128x64xf32, #tpu.memory_space<vmem>>
    %dma_start3A_146 = arith.constant 0 : i32
    %dma_start3A_147 = tpu.memref_slice %arg12[%dma_start3A_140, %dma_start3A_146] : memref<80x128xi32, #tpu.memory_space<vmem>> -> memref<1x128xi32, #tpu.memory_space<vmem>>
    %dma_start3A_148 = tpu.memref_squeeze %dma_start3A_147 : memref<1x128xi32, #tpu.memory_space<vmem>> -> memref<128xi32, #tpu.memory_space<vmem>>
    %dma_start3A_149 = arith.constant 0 : i32
    %dma_start3A_150 = arith.constant 0 : i32
    %dma_start3A_151 = tpu.memref_slice %arg3[%dma_start3A_149, %dma_start3A_150] : memref<10000x64xf32, #tpu.memory_space<hbm>> -> memref<10000x64xf32, #tpu.memory_space<hbm>>
    tpu.enqueue_indirect_dma source(%dma_start3A_151 : memref<10000x64xf32, #tpu.memory_space<hbm>>) target(%dma_start3A_145 : memref<128x64xf32, #tpu.memory_space<vmem>>) offsets(%dma_start3A_148 : memref<128xi32, #tpu.memory_space<vmem>>) semaphore(%arg17 : memref<!tpu.dma_semaphore, #tpu.memory_space<semaphore_mem>>)
    %dma_start3A_152 = arith.constant 1 : i32
    %dma_start3A_153 = arith.constant 1 : i32
    %dma_start3A_154 = arith.constant 0 : i32
    %dma_start3A_155 = arith.constant 0 : i32
    %dma_start3A_156 = tpu.memref_slice %arg13[%dma_start3A_153, %dma_start3A_154, %dma_start3A_155] : memref<5x128x64xf32, #tpu.memory_space<vmem>> -> memref<1x128x64xf32, #tpu.memory_space<vmem>>
    %dma_start3A_157 = tpu.memref_squeeze %dma_start3A_156 : memref<1x128x64xf32, #tpu.memory_space<vmem>> -> memref<128x64xf32, #tpu.memory_space<vmem>>
    %dma_start3A_158 = arith.constant 0 : i32
    %dma_start3A_159 = tpu.memref_slice %arg12[%dma_start3A_152, %dma_start3A_158] : memref<80x128xi32, #tpu.memory_space<vmem>> -> memref<1x128xi32, #tpu.memory_space<vmem>>
    %dma_start3A_160 = tpu.memref_squeeze %dma_start3A_159 : memref<1x128xi32, #tpu.memory_space<vmem>> -> memref<128xi32, #tpu.memory_space<vmem>>
    %dma_start3A_161 = arith.constant 0 : i32
    %dma_start3A_162 = arith.constant 0 : i32
    %dma_start3A_163 = tpu.memref_slice %arg3[%dma_start3A_161, %dma_start3A_162] : memref<10000x64xf32, #tpu.memory_space<hbm>> -> memref<10000x64xf32, #tpu.memory_space<hbm>>
    tpu.enqueue_indirect_dma source(%dma_start3A_163 : memref<10000x64xf32, #tpu.memory_space<hbm>>) target(%dma_start3A_157 : memref<128x64xf32, #tpu.memory_space<vmem>>) offsets(%dma_start3A_160 : memref<128xi32, #tpu.memory_space<vmem>>) semaphore(%arg18 : memref<!tpu.dma_semaphore, #tpu.memory_space<semaphore_mem>>)
    %dma_start3A_164 = arith.constant 2 : i32
    %dma_start3A_165 = arith.constant 2 : i32
    %dma_start3A_166 = arith.constant 0 : i32
    %dma_start3A_167 = arith.constant 0 : i32
    %dma_start3A_168 = tpu.memref_slice %arg13[%dma_start3A_165, %dma_start3A_166, %dma_start3A_167] : memref<5x128x64xf32, #tpu.memory_space<vmem>> -> memref<1x128x64xf32, #tpu.memory_space<vmem>>
    %dma_start3A_169 = tpu.memref_squeeze %dma_start3A_168 : memref<1x128x64xf32, #tpu.memory_space<vmem>> -> memref<128x64xf32, #tpu.memory_space<vmem>>
    %dma_start3A_170 = arith.constant 0 : i32
    %dma_start3A_171 = tpu.memref_slice %arg12[%dma_start3A_164, %dma_start3A_170] : memref<80x128xi32, #tpu.memory_space<vmem>> -> memref<1x128xi32, #tpu.memory_space<vmem>>
    %dma_start3A_172 = tpu.memref_squeeze %dma_start3A_171 : memref<1x128xi32, #tpu.memory_space<vmem>> -> memref<128xi32, #tpu.memory_space<vmem>>
    %dma_start3A_173 = arith.constant 0 : i32
    %dma_start3A_174 = arith.constant 0 : i32
    %dma_start3A_175 = tpu.memref_slice %arg3[%dma_start3A_173, %dma_start3A_174] : memref<10000x64xf32, #tpu.memory_space<hbm>> -> memref<10000x64xf32, #tpu.memory_space<hbm>>
    tpu.enqueue_indirect_dma source(%dma_start3A_175 : memref<10000x64xf32, #tpu.memory_space<hbm>>) target(%dma_start3A_169 : memref<128x64xf32, #tpu.memory_space<vmem>>) offsets(%dma_start3A_172 : memref<128xi32, #tpu.memory_space<vmem>>) semaphore(%arg19 : memref<!tpu.dma_semaphore, #tpu.memory_space<semaphore_mem>>)
    %scan3A_176 = arith.constant 0 : i32
    %scan3A_177 = arith.constant 0 : i32
    %scan3A_178 = arith.constant 16 : i32
    %scan3A_179 = arith.addi %scan3A_177, %scan3A_178 : i32
    %scan3A_180 = arith.constant 1 : i32
    scf.for %scan3A_244 = %scan3A_177 to %scan3A_179 step %scan3A_180  : i32 {
      %mul3A_245 = arith.constant 5 : i32
      %mul3A_246 = arith.muli %scan3A_244, %mul3A_245 : i32
      %add3A_247 = arith.constant 0 : i32
      %add3A_248 = arith.addi %mul3A_246, %add3A_247 : i32
      %add3A_249 = arith.constant 3 : i32
      %add3A_250 = arith.addi %add3A_248, %add3A_249 : i32
      %lt3A = arith.constant 80 : i32
      %lt3A_251 = arith.cmpi slt, %add3A_250, %lt3A : i32
      %convert_element_type3A = arith.extui %lt3A_251 : i1 to i32
      %cond3A = arith.constant 0 : i32
      %cond3A_252 = arith.cmpi ne, %convert_element_type3A, %cond3A : i32
      scf.if %cond3A_252 {
        %ge3A = arith.constant 5 : i32
        %ge3A_407 = arith.cmpi sge, %add3A_250, %ge3A : i32
        %convert_element_type3A_408 = arith.extui %ge3A_407 : i1 to i32
        %cond3A_409 = arith.constant 0 : i32
        %cond3A_410 = arith.cmpi ne, %convert_element_type3A_408, %cond3A_409 : i32
        scf.if %cond3A_410 {
          %dma_wait3A_422 = arith.constant 3 : i32
          %dma_wait3A_423 = arith.constant 0 : i32
          %dma_wait3A_424 = arith.constant 0 : i32
          %dma_wait3A_425 = arith.constant 0 : i32
          %dma_wait3A_426 = tpu.memref_slice %arg13[%dma_wait3A_422, %dma_wait3A_424, %dma_wait3A_425] : memref<5x128x64xf32, #tpu.memory_space<vmem>> -> memref<1x128x64xf32, #tpu.memory_space<vmem>>
          %dma_wait3A_427 = tpu.memref_squeeze %dma_wait3A_426 : memref<1x128x64xf32, #tpu.memory_space<vmem>> -> memref<128x64xf32, #tpu.memory_space<vmem>>
          %dma_wait3A_428 = arith.constant 0 : i32
          %dma_wait3A_429 = tpu.memref_slice %arg11[%dma_wait3A_423, %dma_wait3A_428] : memref<80x128xi32, #tpu.memory_space<vmem>> -> memref<1x128xi32, #tpu.memory_space<vmem>>
          %dma_wait3A_430 = tpu.memref_squeeze %dma_wait3A_429 : memref<1x128xi32, #tpu.memory_space<vmem>> -> memref<128xi32, #tpu.memory_space<vmem>>
          %dma_wait3A_431 = arith.constant 0 : i32
          %dma_wait3A_432 = arith.constant 0 : i32
          %dma_wait3A_433 = tpu.memref_slice %arg15[%dma_wait3A_431, %dma_wait3A_432] : memref<10240x64xf32, #tpu.memory_space<vmem_shared>> -> memref<10240x64xf32, #tpu.memory_space<vmem_shared>>
          tpu.wait_indirect_dma semaphore(%arg25 : memref<!tpu.dma_semaphore, #tpu.memory_space<semaphore_mem>>) src(%dma_wait3A_427 : memref<128x64xf32, #tpu.memory_space<vmem>>) dst(%dma_wait3A_433 : memref<10240x64xf32, #tpu.memory_space<vmem_shared>>)
        } else {
        }
        %dma_start3A_411 = arith.constant 3 : i32
        %dma_start3A_412 = arith.constant 0 : i32
        %dma_start3A_413 = arith.constant 0 : i32
        %dma_start3A_414 = tpu.memref_slice %arg13[%dma_start3A_411, %dma_start3A_412, %dma_start3A_413] : memref<5x128x64xf32, #tpu.memory_space<vmem>> -> memref<1x128x64xf32, #tpu.memory_space<vmem>>
        %dma_start3A_415 = tpu.memref_squeeze %dma_start3A_414 : memref<1x128x64xf32, #tpu.memory_space<vmem>> -> memref<128x64xf32, #tpu.memory_space<vmem>>
        %dma_start3A_416 = arith.constant 0 : i32
        %dma_start3A_417 = tpu.memref_slice %arg12[%add3A_250, %dma_start3A_416] : memref<80x128xi32, #tpu.memory_space<vmem>> -> memref<1x128xi32, #tpu.memory_space<vmem>>
        %dma_start3A_418 = tpu.memref_squeeze %dma_start3A_417 : memref<1x128xi32, #tpu.memory_space<vmem>> -> memref<128xi32, #tpu.memory_space<vmem>>
        %dma_start3A_419 = arith.constant 0 : i32
        %dma_start3A_420 = arith.constant 0 : i32
        %dma_start3A_421 = tpu.memref_slice %arg3[%dma_start3A_419, %dma_start3A_420] : memref<10000x64xf32, #tpu.memory_space<hbm>> -> memref<10000x64xf32, #tpu.memory_space<hbm>>
        tpu.enqueue_indirect_dma source(%dma_start3A_421 : memref<10000x64xf32, #tpu.memory_space<hbm>>) target(%dma_start3A_415 : memref<128x64xf32, #tpu.memory_space<vmem>>) offsets(%dma_start3A_418 : memref<128xi32, #tpu.memory_space<vmem>>) semaphore(%arg20 : memref<!tpu.dma_semaphore, #tpu.memory_space<semaphore_mem>>)
      } else {
      }
      %dma_wait3A_253 = arith.constant 0 : i32
      %dma_wait3A_254 = arith.constant 0 : i32
      %dma_wait3A_255 = arith.constant 0 : i32
      %dma_wait3A_256 = tpu.memref_slice %arg13[%dma_wait3A_253, %dma_wait3A_254, %dma_wait3A_255] : memref<5x128x64xf32, #tpu.memory_space<vmem>> -> memref<1x128x64xf32, #tpu.memory_space<vmem>>
      %dma_wait3A_257 = tpu.memref_squeeze %dma_wait3A_256 : memref<1x128x64xf32, #tpu.memory_space<vmem>> -> memref<128x64xf32, #tpu.memory_space<vmem>>
      %dma_wait3A_258 = arith.constant 0 : i32
      %dma_wait3A_259 = tpu.memref_slice %arg12[%add3A_248, %dma_wait3A_258] : memref<80x128xi32, #tpu.memory_space<vmem>> -> memref<1x128xi32, #tpu.memory_space<vmem>>
      %dma_wait3A_260 = tpu.memref_squeeze %dma_wait3A_259 : memref<1x128xi32, #tpu.memory_space<vmem>> -> memref<128xi32, #tpu.memory_space<vmem>>
      %dma_wait3A_261 = arith.constant 0 : i32
      %dma_wait3A_262 = arith.constant 0 : i32
      %dma_wait3A_263 = tpu.memref_slice %arg3[%dma_wait3A_261, %dma_wait3A_262] : memref<10000x64xf32, #tpu.memory_space<hbm>> -> memref<10000x64xf32, #tpu.memory_space<hbm>>
      tpu.wait_indirect_dma semaphore(%arg17 : memref<!tpu.dma_semaphore, #tpu.memory_space<semaphore_mem>>) src(%dma_wait3A_263 : memref<10000x64xf32, #tpu.memory_space<hbm>>) dst(%dma_wait3A_257 : memref<128x64xf32, #tpu.memory_space<vmem>>)
      %dma_start3A_264 = arith.constant 0 : i32
      %dma_start3A_265 = arith.constant 0 : i32
      %dma_start3A_266 = arith.constant 0 : i32
      %dma_start3A_267 = tpu.memref_slice %arg13[%dma_start3A_264, %dma_start3A_265, %dma_start3A_266] : memref<5x128x64xf32, #tpu.memory_space<vmem>> -> memref<1x128x64xf32, #tpu.memory_space<vmem>>
      %dma_start3A_268 = tpu.memref_squeeze %dma_start3A_267 : memref<1x128x64xf32, #tpu.memory_space<vmem>> -> memref<128x64xf32, #tpu.memory_space<vmem>>
      %dma_start3A_269 = arith.constant 0 : i32
      %dma_start3A_270 = tpu.memref_slice %arg11[%add3A_248, %dma_start3A_269] : memref<80x128xi32, #tpu.memory_space<vmem>> -> memref<1x128xi32, #tpu.memory_space<vmem>>
      %dma_start3A_271 = tpu.memref_squeeze %dma_start3A_270 : memref<1x128xi32, #tpu.memory_space<vmem>> -> memref<128xi32, #tpu.memory_space<vmem>>
      %dma_start3A_272 = arith.constant 0 : i32
      %dma_start3A_273 = arith.constant 0 : i32
      %dma_start3A_274 = tpu.memref_slice %arg15[%dma_start3A_272, %dma_start3A_273] : memref<10240x64xf32, #tpu.memory_space<vmem_shared>> -> memref<10240x64xf32, #tpu.memory_space<vmem_shared>>
      tpu.enqueue_indirect_dma source(%dma_start3A_268 : memref<128x64xf32, #tpu.memory_space<vmem>>) target(%dma_start3A_274 : memref<10240x64xf32, #tpu.memory_space<vmem_shared>>) offsets(%dma_start3A_271 : memref<128xi32, #tpu.memory_space<vmem>>) semaphore(%arg22 : memref<!tpu.dma_semaphore, #tpu.memory_space<semaphore_mem>>) {add = true}
      %mul3A_275 = arith.constant 5 : i32
      %mul3A_276 = arith.muli %scan3A_244, %mul3A_275 : i32
      %add3A_277 = arith.constant 1 : i32
      %add3A_278 = arith.addi %mul3A_276, %add3A_277 : i32
      %add3A_279 = arith.constant 3 : i32
      %add3A_280 = arith.addi %add3A_278, %add3A_279 : i32
      %lt3A_281 = arith.constant 80 : i32
      %lt3A_282 = arith.cmpi slt, %add3A_280, %lt3A_281 : i32
      %convert_element_type3A_283 = arith.extui %lt3A_282 : i1 to i32
      %cond3A_284 = arith.constant 0 : i32
      %cond3A_285 = arith.cmpi ne, %convert_element_type3A_283, %cond3A_284 : i32
      scf.if %cond3A_285 {
        %ge3A = arith.constant 5 : i32
        %ge3A_407 = arith.cmpi sge, %add3A_280, %ge3A : i32
        %convert_element_type3A_408 = arith.extui %ge3A_407 : i1 to i32
        %cond3A_409 = arith.constant 0 : i32
        %cond3A_410 = arith.cmpi ne, %convert_element_type3A_408, %cond3A_409 : i32
        scf.if %cond3A_410 {
          %dma_wait3A_422 = arith.constant 4 : i32
          %dma_wait3A_423 = arith.constant 0 : i32
          %dma_wait3A_424 = arith.constant 0 : i32
          %dma_wait3A_425 = arith.constant 0 : i32
          %dma_wait3A_426 = tpu.memref_slice %arg13[%dma_wait3A_422, %dma_wait3A_424, %dma_wait3A_425] : memref<5x128x64xf32, #tpu.memory_space<vmem>> -> memref<1x128x64xf32, #tpu.memory_space<vmem>>
          %dma_wait3A_427 = tpu.memref_squeeze %dma_wait3A_426 : memref<1x128x64xf32, #tpu.memory_space<vmem>> -> memref<128x64xf32, #tpu.memory_space<vmem>>
          %dma_wait3A_428 = arith.constant 0 : i32
          %dma_wait3A_429 = tpu.memref_slice %arg11[%dma_wait3A_423, %dma_wait3A_428] : memref<80x128xi32, #tpu.memory_space<vmem>> -> memref<1x128xi32, #tpu.memory_space<vmem>>
          %dma_wait3A_430 = tpu.memref_squeeze %dma_wait3A_429 : memref<1x128xi32, #tpu.memory_space<vmem>> -> memref<128xi32, #tpu.memory_space<vmem>>
          %dma_wait3A_431 = arith.constant 0 : i32
          %dma_wait3A_432 = arith.constant 0 : i32
          %dma_wait3A_433 = tpu.memref_slice %arg15[%dma_wait3A_431, %dma_wait3A_432] : memref<10240x64xf32, #tpu.memory_space<vmem_shared>> -> memref<10240x64xf32, #tpu.memory_space<vmem_shared>>
          tpu.wait_indirect_dma semaphore(%arg26 : memref<!tpu.dma_semaphore, #tpu.memory_space<semaphore_mem>>) src(%dma_wait3A_427 : memref<128x64xf32, #tpu.memory_space<vmem>>) dst(%dma_wait3A_433 : memref<10240x64xf32, #tpu.memory_space<vmem_shared>>)
        } else {
        }
        %dma_start3A_411 = arith.constant 4 : i32
        %dma_start3A_412 = arith.constant 0 : i32
        %dma_start3A_413 = arith.constant 0 : i32
        %dma_start3A_414 = tpu.memref_slice %arg13[%dma_start3A_411, %dma_start3A_412, %dma_start3A_413] : memref<5x128x64xf32, #tpu.memory_space<vmem>> -> memref<1x128x64xf32, #tpu.memory_space<vmem>>
        %dma_start3A_415 = tpu.memref_squeeze %dma_start3A_414 : memref<1x128x64xf32, #tpu.memory_space<vmem>> -> memref<128x64xf32, #tpu.memory_space<vmem>>
        %dma_start3A_416 = arith.constant 0 : i32
        %dma_start3A_417 = tpu.memref_slice %arg12[%add3A_280, %dma_start3A_416] : memref<80x128xi32, #tpu.memory_space<vmem>> -> memref<1x128xi32, #tpu.memory_space<vmem>>
        %dma_start3A_418 = tpu.memref_squeeze %dma_start3A_417 : memref<1x128xi32, #tpu.memory_space<vmem>> -> memref<128xi32, #tpu.memory_space<vmem>>
        %dma_start3A_419 = arith.constant 0 : i32
        %dma_start3A_420 = arith.constant 0 : i32
        %dma_start3A_421 = tpu.memref_slice %arg3[%dma_start3A_419, %dma_start3A_420] : memref<10000x64xf32, #tpu.memory_space<hbm>> -> memref<10000x64xf32, #tpu.memory_space<hbm>>
        tpu.enqueue_indirect_dma source(%dma_start3A_421 : memref<10000x64xf32, #tpu.memory_space<hbm>>) target(%dma_start3A_415 : memref<128x64xf32, #tpu.memory_space<vmem>>) offsets(%dma_start3A_418 : memref<128xi32, #tpu.memory_space<vmem>>) semaphore(%arg21 : memref<!tpu.dma_semaphore, #tpu.memory_space<semaphore_mem>>)
      } else {
      }
      %dma_wait3A_286 = arith.constant 1 : i32
      %dma_wait3A_287 = arith.constant 0 : i32
      %dma_wait3A_288 = arith.constant 0 : i32
      %dma_wait3A_289 = tpu.memref_slice %arg13[%dma_wait3A_286, %dma_wait3A_287, %dma_wait3A_288] : memref<5x128x64xf32, #tpu.memory_space<vmem>> -> memref<1x128x64xf32, #tpu.memory_space<vmem>>
      %dma_wait3A_290 = tpu.memref_squeeze %dma_wait3A_289 : memref<1x128x64xf32, #tpu.memory_space<vmem>> -> memref<128x64xf32, #tpu.memory_space<vmem>>
      %dma_wait3A_291 = arith.constant 0 : i32
      %dma_wait3A_292 = tpu.memref_slice %arg12[%add3A_278, %dma_wait3A_291] : memref<80x128xi32, #tpu.memory_space<vmem>> -> memref<1x128xi32, #tpu.memory_space<vmem>>
      %dma_wait3A_293 = tpu.memref_squeeze %dma_wait3A_292 : memref<1x128xi32, #tpu.memory_space<vmem>> -> memref<128xi32, #tpu.memory_space<vmem>>
      %dma_wait3A_294 = arith.constant 0 : i32
      %dma_wait3A_295 = arith.constant 0 : i32
      %dma_wait3A_296 = tpu.memref_slice %arg3[%dma_wait3A_294, %dma_wait3A_295] : memref<10000x64xf32, #tpu.memory_space<hbm>> -> memref<10000x64xf32, #tpu.memory_space<hbm>>
      tpu.wait_indirect_dma semaphore(%arg18 : memref<!tpu.dma_semaphore, #tpu.memory_space<semaphore_mem>>) src(%dma_wait3A_296 : memref<10000x64xf32, #tpu.memory_space<hbm>>) dst(%dma_wait3A_290 : memref<128x64xf32, #tpu.memory_space<vmem>>)
      %dma_start3A_297 = arith.constant 1 : i32
      %dma_start3A_298 = arith.constant 0 : i32
      %dma_start3A_299 = arith.constant 0 : i32
      %dma_start3A_300 = tpu.memref_slice %arg13[%dma_start3A_297, %dma_start3A_298, %dma_start3A_299] : memref<5x128x64xf32, #tpu.memory_space<vmem>> -> memref<1x128x64xf32, #tpu.memory_space<vmem>>
      %dma_start3A_301 = tpu.memref_squeeze %dma_start3A_300 : memref<1x128x64xf32, #tpu.memory_space<vmem>> -> memref<128x64xf32, #tpu.memory_space<vmem>>
      %dma_start3A_302 = arith.constant 0 : i32
      %dma_start3A_303 = tpu.memref_slice %arg11[%add3A_278, %dma_start3A_302] : memref<80x128xi32, #tpu.memory_space<vmem>> -> memref<1x128xi32, #tpu.memory_space<vmem>>
      %dma_start3A_304 = tpu.memref_squeeze %dma_start3A_303 : memref<1x128xi32, #tpu.memory_space<vmem>> -> memref<128xi32, #tpu.memory_space<vmem>>
      %dma_start3A_305 = arith.constant 0 : i32
      %dma_start3A_306 = arith.constant 0 : i32
      %dma_start3A_307 = tpu.memref_slice %arg15[%dma_start3A_305, %dma_start3A_306] : memref<10240x64xf32, #tpu.memory_space<vmem_shared>> -> memref<10240x64xf32, #tpu.memory_space<vmem_shared>>
      tpu.enqueue_indirect_dma source(%dma_start3A_301 : memref<128x64xf32, #tpu.memory_space<vmem>>) target(%dma_start3A_307 : memref<10240x64xf32, #tpu.memory_space<vmem_shared>>) offsets(%dma_start3A_304 : memref<128xi32, #tpu.memory_space<vmem>>) semaphore(%arg23 : memref<!tpu.dma_semaphore, #tpu.memory_space<semaphore_mem>>) {add = true}
      %mul3A_308 = arith.constant 5 : i32
      %mul3A_309 = arith.muli %scan3A_244, %mul3A_308 : i32
      %add3A_310 = arith.constant 2 : i32
      %add3A_311 = arith.addi %mul3A_309, %add3A_310 : i32
      %add3A_312 = arith.constant 3 : i32
      %add3A_313 = arith.addi %add3A_311, %add3A_312 : i32
      %lt3A_314 = arith.constant 80 : i32
      %lt3A_315 = arith.cmpi slt, %add3A_313, %lt3A_314 : i32
      %convert_element_type3A_316 = arith.extui %lt3A_315 : i1 to i32
      %cond3A_317 = arith.constant 0 : i32
      %cond3A_318 = arith.cmpi ne, %convert_element_type3A_316, %cond3A_317 : i32
      scf.if %cond3A_318 {
        %ge3A = arith.constant 5 : i32
        %ge3A_407 = arith.cmpi sge, %add3A_313, %ge3A : i32
        %convert_element_type3A_408 = arith.extui %ge3A_407 : i1 to i32
        %cond3A_409 = arith.constant 0 : i32
        %cond3A_410 = arith.cmpi ne, %convert_element_type3A_408, %cond3A_409 : i32
        scf.if %cond3A_410 {
          %dma_wait3A_422 = arith.constant 0 : i32
          %dma_wait3A_423 = arith.constant 0 : i32
          %dma_wait3A_424 = arith.constant 0 : i32
          %dma_wait3A_425 = arith.constant 0 : i32
          %dma_wait3A_426 = tpu.memref_slice %arg13[%dma_wait3A_422, %dma_wait3A_424, %dma_wait3A_425] : memref<5x128x64xf32, #tpu.memory_space<vmem>> -> memref<1x128x64xf32, #tpu.memory_space<vmem>>
          %dma_wait3A_427 = tpu.memref_squeeze %dma_wait3A_426 : memref<1x128x64xf32, #tpu.memory_space<vmem>> -> memref<128x64xf32, #tpu.memory_space<vmem>>
          %dma_wait3A_428 = arith.constant 0 : i32
          %dma_wait3A_429 = tpu.memref_slice %arg11[%dma_wait3A_423, %dma_wait3A_428] : memref<80x128xi32, #tpu.memory_space<vmem>> -> memref<1x128xi32, #tpu.memory_space<vmem>>
          %dma_wait3A_430 = tpu.memref_squeeze %dma_wait3A_429 : memref<1x128xi32, #tpu.memory_space<vmem>> -> memref<128xi32, #tpu.memory_space<vmem>>
          %dma_wait3A_431 = arith.constant 0 : i32
          %dma_wait3A_432 = arith.constant 0 : i32
          %dma_wait3A_433 = tpu.memref_slice %arg15[%dma_wait3A_431, %dma_wait3A_432] : memref<10240x64xf32, #tpu.memory_space<vmem_shared>> -> memref<10240x64xf32, #tpu.memory_space<vmem_shared>>
          tpu.wait_indirect_dma semaphore(%arg22 : memref<!tpu.dma_semaphore, #tpu.memory_space<semaphore_mem>>) src(%dma_wait3A_427 : memref<128x64xf32, #tpu.memory_space<vmem>>) dst(%dma_wait3A_433 : memref<10240x64xf32, #tpu.memory_space<vmem_shared>>)
        } else {
        }
        %dma_start3A_411 = arith.constant 0 : i32
        %dma_start3A_412 = arith.constant 0 : i32
        %dma_start3A_413 = arith.constant 0 : i32
        %dma_start3A_414 = tpu.memref_slice %arg13[%dma_start3A_411, %dma_start3A_412, %dma_start3A_413] : memref<5x128x64xf32, #tpu.memory_space<vmem>> -> memref<1x128x64xf32, #tpu.memory_space<vmem>>
        %dma_start3A_415 = tpu.memref_squeeze %dma_start3A_414 : memref<1x128x64xf32, #tpu.memory_space<vmem>> -> memref<128x64xf32, #tpu.memory_space<vmem>>
        %dma_start3A_416 = arith.constant 0 : i32
        %dma_start3A_417 = tpu.memref_slice %arg12[%add3A_313, %dma_start3A_416] : memref<80x128xi32, #tpu.memory_space<vmem>> -> memref<1x128xi32, #tpu.memory_space<vmem>>
        %dma_start3A_418 = tpu.memref_squeeze %dma_start3A_417 : memref<1x128xi32, #tpu.memory_space<vmem>> -> memref<128xi32, #tpu.memory_space<vmem>>
        %dma_start3A_419 = arith.constant 0 : i32
        %dma_start3A_420 = arith.constant 0 : i32
        %dma_start3A_421 = tpu.memref_slice %arg3[%dma_start3A_419, %dma_start3A_420] : memref<10000x64xf32, #tpu.memory_space<hbm>> -> memref<10000x64xf32, #tpu.memory_space<hbm>>
        tpu.enqueue_indirect_dma source(%dma_start3A_421 : memref<10000x64xf32, #tpu.memory_space<hbm>>) target(%dma_start3A_415 : memref<128x64xf32, #tpu.memory_space<vmem>>) offsets(%dma_start3A_418 : memref<128xi32, #tpu.memory_space<vmem>>) semaphore(%arg17 : memref<!tpu.dma_semaphore, #tpu.memory_space<semaphore_mem>>)
      } else {
      }
      %dma_wait3A_319 = arith.constant 2 : i32
      %dma_wait3A_320 = arith.constant 0 : i32
      %dma_wait3A_321 = arith.constant 0 : i32
      %dma_wait3A_322 = tpu.memref_slice %arg13[%dma_wait3A_319, %dma_wait3A_320, %dma_wait3A_321] : memref<5x128x64xf32, #tpu.memory_space<vmem>> -> memref<1x128x64xf32, #tpu.memory_space<vmem>>
      %dma_wait3A_323 = tpu.memref_squeeze %dma_wait3A_322 : memref<1x128x64xf32, #tpu.memory_space<vmem>> -> memref<128x64xf32, #tpu.memory_space<vmem>>
      %dma_wait3A_324 = arith.constant 0 : i32
      %dma_wait3A_325 = tpu.memref_slice %arg12[%add3A_311, %dma_wait3A_324] : memref<80x128xi32, #tpu.memory_space<vmem>> -> memref<1x128xi32, #tpu.memory_space<vmem>>
      %dma_wait3A_326 = tpu.memref_squeeze %dma_wait3A_325 : memref<1x128xi32, #tpu.memory_space<vmem>> -> memref<128xi32, #tpu.memory_space<vmem>>
      %dma_wait3A_327 = arith.constant 0 : i32
      %dma_wait3A_328 = arith.constant 0 : i32
      %dma_wait3A_329 = tpu.memref_slice %arg3[%dma_wait3A_327, %dma_wait3A_328] : memref<10000x64xf32, #tpu.memory_space<hbm>> -> memref<10000x64xf32, #tpu.memory_space<hbm>>
      tpu.wait_indirect_dma semaphore(%arg19 : memref<!tpu.dma_semaphore, #tpu.memory_space<semaphore_mem>>) src(%dma_wait3A_329 : memref<10000x64xf32, #tpu.memory_space<hbm>>) dst(%dma_wait3A_323 : memref<128x64xf32, #tpu.memory_space<vmem>>)
      %dma_start3A_330 = arith.constant 2 : i32
      %dma_start3A_331 = arith.constant 0 : i32
      %dma_start3A_332 = arith.constant 0 : i32
      %dma_start3A_333 = tpu.memref_slice %arg13[%dma_start3A_330, %dma_start3A_331, %dma_start3A_332] : memref<5x128x64xf32, #tpu.memory_space<vmem>> -> memref<1x128x64xf32, #tpu.memory_space<vmem>>
      %dma_start3A_334 = tpu.memref_squeeze %dma_start3A_333 : memref<1x128x64xf32, #tpu.memory_space<vmem>> -> memref<128x64xf32, #tpu.memory_space<vmem>>
      %dma_start3A_335 = arith.constant 0 : i32
      %dma_start3A_336 = tpu.memref_slice %arg11[%add3A_311, %dma_start3A_335] : memref<80x128xi32, #tpu.memory_space<vmem>> -> memref<1x128xi32, #tpu.memory_space<vmem>>
      %dma_start3A_337 = tpu.memref_squeeze %dma_start3A_336 : memref<1x128xi32, #tpu.memory_space<vmem>> -> memref<128xi32, #tpu.memory_space<vmem>>
      %dma_start3A_338 = arith.constant 0 : i32
      %dma_start3A_339 = arith.constant 0 : i32
      %dma_start3A_340 = tpu.memref_slice %arg15[%dma_start3A_338, %dma_start3A_339] : memref<10240x64xf32, #tpu.memory_space<vmem_shared>> -> memref<10240x64xf32, #tpu.memory_space<vmem_shared>>
      tpu.enqueue_indirect_dma source(%dma_start3A_334 : memref<128x64xf32, #tpu.memory_space<vmem>>) target(%dma_start3A_340 : memref<10240x64xf32, #tpu.memory_space<vmem_shared>>) offsets(%dma_start3A_337 : memref<128xi32, #tpu.memory_space<vmem>>) semaphore(%arg24 : memref<!tpu.dma_semaphore, #tpu.memory_space<semaphore_mem>>) {add = true}
      %mul3A_341 = arith.constant 5 : i32
      %mul3A_342 = arith.muli %scan3A_244, %mul3A_341 : i32
      %add3A_343 = arith.constant 3 : i32
      %add3A_344 = arith.addi %mul3A_342, %add3A_343 : i32
      %add3A_345 = arith.constant 3 : i32
      %add3A_346 = arith.addi %add3A_344, %add3A_345 : i32
      %lt3A_347 = arith.constant 80 : i32
      %lt3A_348 = arith.cmpi slt, %add3A_346, %lt3A_347 : i32
      %convert_element_type3A_349 = arith.extui %lt3A_348 : i1 to i32
      %cond3A_350 = arith.constant 0 : i32
      %cond3A_351 = arith.cmpi ne, %convert_element_type3A_349, %cond3A_350 : i32
      scf.if %cond3A_351 {
        %ge3A = arith.constant 5 : i32
        %ge3A_407 = arith.cmpi sge, %add3A_346, %ge3A : i32
        %convert_element_type3A_408 = arith.extui %ge3A_407 : i1 to i32
        %cond3A_409 = arith.constant 0 : i32
        %cond3A_410 = arith.cmpi ne, %convert_element_type3A_408, %cond3A_409 : i32
        scf.if %cond3A_410 {
          %dma_wait3A_422 = arith.constant 1 : i32
          %dma_wait3A_423 = arith.constant 0 : i32
          %dma_wait3A_424 = arith.constant 0 : i32
          %dma_wait3A_425 = arith.constant 0 : i32
          %dma_wait3A_426 = tpu.memref_slice %arg13[%dma_wait3A_422, %dma_wait3A_424, %dma_wait3A_425] : memref<5x128x64xf32, #tpu.memory_space<vmem>> -> memref<1x128x64xf32, #tpu.memory_space<vmem>>
          %dma_wait3A_427 = tpu.memref_squeeze %dma_wait3A_426 : memref<1x128x64xf32, #tpu.memory_space<vmem>> -> memref<128x64xf32, #tpu.memory_space<vmem>>
          %dma_wait3A_428 = arith.constant 0 : i32
          %dma_wait3A_429 = tpu.memref_slice %arg11[%dma_wait3A_423, %dma_wait3A_428] : memref<80x128xi32, #tpu.memory_space<vmem>> -> memref<1x128xi32, #tpu.memory_space<vmem>>
          %dma_wait3A_430 = tpu.memref_squeeze %dma_wait3A_429 : memref<1x128xi32, #tpu.memory_space<vmem>> -> memref<128xi32, #tpu.memory_space<vmem>>
          %dma_wait3A_431 = arith.constant 0 : i32
          %dma_wait3A_432 = arith.constant 0 : i32
          %dma_wait3A_433 = tpu.memref_slice %arg15[%dma_wait3A_431, %dma_wait3A_432] : memref<10240x64xf32, #tpu.memory_space<vmem_shared>> -> memref<10240x64xf32, #tpu.memory_space<vmem_shared>>
          tpu.wait_indirect_dma semaphore(%arg23 : memref<!tpu.dma_semaphore, #tpu.memory_space<semaphore_mem>>) src(%dma_wait3A_427 : memref<128x64xf32, #tpu.memory_space<vmem>>) dst(%dma_wait3A_433 : memref<10240x64xf32, #tpu.memory_space<vmem_shared>>)
        } else {
        }
        %dma_start3A_411 = arith.constant 1 : i32
        %dma_start3A_412 = arith.constant 0 : i32
        %dma_start3A_413 = arith.constant 0 : i32
        %dma_start3A_414 = tpu.memref_slice %arg13[%dma_start3A_411, %dma_start3A_412, %dma_start3A_413] : memref<5x128x64xf32, #tpu.memory_space<vmem>> -> memref<1x128x64xf32, #tpu.memory_space<vmem>>
        %dma_start3A_415 = tpu.memref_squeeze %dma_start3A_414 : memref<1x128x64xf32, #tpu.memory_space<vmem>> -> memref<128x64xf32, #tpu.memory_space<vmem>>
        %dma_start3A_416 = arith.constant 0 : i32
        %dma_start3A_417 = tpu.memref_slice %arg12[%add3A_346, %dma_start3A_416] : memref<80x128xi32, #tpu.memory_space<vmem>> -> memref<1x128xi32, #tpu.memory_space<vmem>>
        %dma_start3A_418 = tpu.memref_squeeze %dma_start3A_417 : memref<1x128xi32, #tpu.memory_space<vmem>> -> memref<128xi32, #tpu.memory_space<vmem>>
        %dma_start3A_419 = arith.constant 0 : i32
        %dma_start3A_420 = arith.constant 0 : i32
        %dma_start3A_421 = tpu.memref_slice %arg3[%dma_start3A_419, %dma_start3A_420] : memref<10000x64xf32, #tpu.memory_space<hbm>> -> memref<10000x64xf32, #tpu.memory_space<hbm>>
        tpu.enqueue_indirect_dma source(%dma_start3A_421 : memref<10000x64xf32, #tpu.memory_space<hbm>>) target(%dma_start3A_415 : memref<128x64xf32, #tpu.memory_space<vmem>>) offsets(%dma_start3A_418 : memref<128xi32, #tpu.memory_space<vmem>>) semaphore(%arg18 : memref<!tpu.dma_semaphore, #tpu.memory_space<semaphore_mem>>)
      } else {
      }
      %dma_wait3A_352 = arith.constant 3 : i32
      %dma_wait3A_353 = arith.constant 0 : i32
      %dma_wait3A_354 = arith.constant 0 : i32
      %dma_wait3A_355 = tpu.memref_slice %arg13[%dma_wait3A_352, %dma_wait3A_353, %dma_wait3A_354] : memref<5x128x64xf32, #tpu.memory_space<vmem>> -> memref<1x128x64xf32, #tpu.memory_space<vmem>>
      %dma_wait3A_356 = tpu.memref_squeeze %dma_wait3A_355 : memref<1x128x64xf32, #tpu.memory_space<vmem>> -> memref<128x64xf32, #tpu.memory_space<vmem>>
      %dma_wait3A_357 = arith.constant 0 : i32
      %dma_wait3A_358 = tpu.memref_slice %arg12[%add3A_344, %dma_wait3A_357] : memref<80x128xi32, #tpu.memory_space<vmem>> -> memref<1x128xi32, #tpu.memory_space<vmem>>
      %dma_wait3A_359 = tpu.memref_squeeze %dma_wait3A_358 : memref<1x128xi32, #tpu.memory_space<vmem>> -> memref<128xi32, #tpu.memory_space<vmem>>
      %dma_wait3A_360 = arith.constant 0 : i32
      %dma_wait3A_361 = arith.constant 0 : i32
      %dma_wait3A_362 = tpu.memref_slice %arg3[%dma_wait3A_360, %dma_wait3A_361] : memref<10000x64xf32, #tpu.memory_space<hbm>> -> memref<10000x64xf32, #tpu.memory_space<hbm>>
      tpu.wait_indirect_dma semaphore(%arg20 : memref<!tpu.dma_semaphore, #tpu.memory_space<semaphore_mem>>) src(%dma_wait3A_362 : memref<10000x64xf32, #tpu.memory_space<hbm>>) dst(%dma_wait3A_356 : memref<128x64xf32, #tpu.memory_space<vmem>>)
      %dma_start3A_363 = arith.constant 3 : i32
      %dma_start3A_364 = arith.constant 0 : i32
      %dma_start3A_365 = arith.constant 0 : i32
      %dma_start3A_366 = tpu.memref_slice %arg13[%dma_start3A_363, %dma_start3A_364, %dma_start3A_365] : memref<5x128x64xf32, #tpu.memory_space<vmem>> -> memref<1x128x64xf32, #tpu.memory_space<vmem>>
      %dma_start3A_367 = tpu.memref_squeeze %dma_start3A_366 : memref<1x128x64xf32, #tpu.memory_space<vmem>> -> memref<128x64xf32, #tpu.memory_space<vmem>>
      %dma_start3A_368 = arith.constant 0 : i32
      %dma_start3A_369 = tpu.memref_slice %arg11[%add3A_344, %dma_start3A_368] : memref<80x128xi32, #tpu.memory_space<vmem>> -> memref<1x128xi32, #tpu.memory_space<vmem>>
      %dma_start3A_370 = tpu.memref_squeeze %dma_start3A_369 : memref<1x128xi32, #tpu.memory_space<vmem>> -> memref<128xi32, #tpu.memory_space<vmem>>
      %dma_start3A_371 = arith.constant 0 : i32
      %dma_start3A_372 = arith.constant 0 : i32
      %dma_start3A_373 = tpu.memref_slice %arg15[%dma_start3A_371, %dma_start3A_372] : memref<10240x64xf32, #tpu.memory_space<vmem_shared>> -> memref<10240x64xf32, #tpu.memory_space<vmem_shared>>
      tpu.enqueue_indirect_dma source(%dma_start3A_367 : memref<128x64xf32, #tpu.memory_space<vmem>>) target(%dma_start3A_373 : memref<10240x64xf32, #tpu.memory_space<vmem_shared>>) offsets(%dma_start3A_370 : memref<128xi32, #tpu.memory_space<vmem>>) semaphore(%arg25 : memref<!tpu.dma_semaphore, #tpu.memory_space<semaphore_mem>>) {add = true}
      %mul3A_374 = arith.constant 5 : i32
      %mul3A_375 = arith.muli %scan3A_244, %mul3A_374 : i32
      %add3A_376 = arith.constant 4 : i32
      %add3A_377 = arith.addi %mul3A_375, %add3A_376 : i32
      %add3A_378 = arith.constant 3 : i32
      %add3A_379 = arith.addi %add3A_377, %add3A_378 : i32
      %lt3A_380 = arith.constant 80 : i32
      %lt3A_381 = arith.cmpi slt, %add3A_379, %lt3A_380 : i32
      %convert_element_type3A_382 = arith.extui %lt3A_381 : i1 to i32
      %cond3A_383 = arith.constant 0 : i32
      %cond3A_384 = arith.cmpi ne, %convert_element_type3A_382, %cond3A_383 : i32
      scf.if %cond3A_384 {
        %ge3A = arith.constant 5 : i32
        %ge3A_407 = arith.cmpi sge, %add3A_379, %ge3A : i32
        %convert_element_type3A_408 = arith.extui %ge3A_407 : i1 to i32
        %cond3A_409 = arith.constant 0 : i32
        %cond3A_410 = arith.cmpi ne, %convert_element_type3A_408, %cond3A_409 : i32
        scf.if %cond3A_410 {
          %dma_wait3A_422 = arith.constant 2 : i32
          %dma_wait3A_423 = arith.constant 0 : i32
          %dma_wait3A_424 = arith.constant 0 : i32
          %dma_wait3A_425 = arith.constant 0 : i32
          %dma_wait3A_426 = tpu.memref_slice %arg13[%dma_wait3A_422, %dma_wait3A_424, %dma_wait3A_425] : memref<5x128x64xf32, #tpu.memory_space<vmem>> -> memref<1x128x64xf32, #tpu.memory_space<vmem>>
          %dma_wait3A_427 = tpu.memref_squeeze %dma_wait3A_426 : memref<1x128x64xf32, #tpu.memory_space<vmem>> -> memref<128x64xf32, #tpu.memory_space<vmem>>
          %dma_wait3A_428 = arith.constant 0 : i32
          %dma_wait3A_429 = tpu.memref_slice %arg11[%dma_wait3A_423, %dma_wait3A_428] : memref<80x128xi32, #tpu.memory_space<vmem>> -> memref<1x128xi32, #tpu.memory_space<vmem>>
          %dma_wait3A_430 = tpu.memref_squeeze %dma_wait3A_429 : memref<1x128xi32, #tpu.memory_space<vmem>> -> memref<128xi32, #tpu.memory_space<vmem>>
          %dma_wait3A_431 = arith.constant 0 : i32
          %dma_wait3A_432 = arith.constant 0 : i32
          %dma_wait3A_433 = tpu.memref_slice %arg15[%dma_wait3A_431, %dma_wait3A_432] : memref<10240x64xf32, #tpu.memory_space<vmem_shared>> -> memref<10240x64xf32, #tpu.memory_space<vmem_shared>>
          tpu.wait_indirect_dma semaphore(%arg24 : memref<!tpu.dma_semaphore, #tpu.memory_space<semaphore_mem>>) src(%dma_wait3A_427 : memref<128x64xf32, #tpu.memory_space<vmem>>) dst(%dma_wait3A_433 : memref<10240x64xf32, #tpu.memory_space<vmem_shared>>)
        } else {
        }
        %dma_start3A_411 = arith.constant 2 : i32
        %dma_start3A_412 = arith.constant 0 : i32
        %dma_start3A_413 = arith.constant 0 : i32
        %dma_start3A_414 = tpu.memref_slice %arg13[%dma_start3A_411, %dma_start3A_412, %dma_start3A_413] : memref<5x128x64xf32, #tpu.memory_space<vmem>> -> memref<1x128x64xf32, #tpu.memory_space<vmem>>
        %dma_start3A_415 = tpu.memref_squeeze %dma_start3A_414 : memref<1x128x64xf32, #tpu.memory_space<vmem>> -> memref<128x64xf32, #tpu.memory_space<vmem>>
        %dma_start3A_416 = arith.constant 0 : i32
        %dma_start3A_417 = tpu.memref_slice %arg12[%add3A_379, %dma_start3A_416] : memref<80x128xi32, #tpu.memory_space<vmem>> -> memref<1x128xi32, #tpu.memory_space<vmem>>
        %dma_start3A_418 = tpu.memref_squeeze %dma_start3A_417 : memref<1x128xi32, #tpu.memory_space<vmem>> -> memref<128xi32, #tpu.memory_space<vmem>>
        %dma_start3A_419 = arith.constant 0 : i32
        %dma_start3A_420 = arith.constant 0 : i32
        %dma_start3A_421 = tpu.memref_slice %arg3[%dma_start3A_419, %dma_start3A_420] : memref<10000x64xf32, #tpu.memory_space<hbm>> -> memref<10000x64xf32, #tpu.memory_space<hbm>>
        tpu.enqueue_indirect_dma source(%dma_start3A_421 : memref<10000x64xf32, #tpu.memory_space<hbm>>) target(%dma_start3A_415 : memref<128x64xf32, #tpu.memory_space<vmem>>) offsets(%dma_start3A_418 : memref<128xi32, #tpu.memory_space<vmem>>) semaphore(%arg19 : memref<!tpu.dma_semaphore, #tpu.memory_space<semaphore_mem>>)
      } else {
      }
      %dma_wait3A_385 = arith.constant 4 : i32
      %dma_wait3A_386 = arith.constant 0 : i32
      %dma_wait3A_387 = arith.constant 0 : i32
      %dma_wait3A_388 = tpu.memref_slice %arg13[%dma_wait3A_385, %dma_wait3A_386, %dma_wait3A_387] : memref<5x128x64xf32, #tpu.memory_space<vmem>> -> memref<1x128x64xf32, #tpu.memory_space<vmem>>
      %dma_wait3A_389 = tpu.memref_squeeze %dma_wait3A_388 : memref<1x128x64xf32, #tpu.memory_space<vmem>> -> memref<128x64xf32, #tpu.memory_space<vmem>>
      %dma_wait3A_390 = arith.constant 0 : i32
      %dma_wait3A_391 = tpu.memref_slice %arg12[%add3A_377, %dma_wait3A_390] : memref<80x128xi32, #tpu.memory_space<vmem>> -> memref<1x128xi32, #tpu.memory_space<vmem>>
      %dma_wait3A_392 = tpu.memref_squeeze %dma_wait3A_391 : memref<1x128xi32, #tpu.memory_space<vmem>> -> memref<128xi32, #tpu.memory_space<vmem>>
      %dma_wait3A_393 = arith.constant 0 : i32
      %dma_wait3A_394 = arith.constant 0 : i32
      %dma_wait3A_395 = tpu.memref_slice %arg3[%dma_wait3A_393, %dma_wait3A_394] : memref<10000x64xf32, #tpu.memory_space<hbm>> -> memref<10000x64xf32, #tpu.memory_space<hbm>>
      tpu.wait_indirect_dma semaphore(%arg21 : memref<!tpu.dma_semaphore, #tpu.memory_space<semaphore_mem>>) src(%dma_wait3A_395 : memref<10000x64xf32, #tpu.memory_space<hbm>>) dst(%dma_wait3A_389 : memref<128x64xf32, #tpu.memory_space<vmem>>)
      %dma_start3A_396 = arith.constant 4 : i32
      %dma_start3A_397 = arith.constant 0 : i32
      %dma_start3A_398 = arith.constant 0 : i32
      %dma_start3A_399 = tpu.memref_slice %arg13[%dma_start3A_396, %dma_start3A_397, %dma_start3A_398] : memref<5x128x64xf32, #tpu.memory_space<vmem>> -> memref<1x128x64xf32, #tpu.memory_space<vmem>>
      %dma_start3A_400 = tpu.memref_squeeze %dma_start3A_399 : memref<1x128x64xf32, #tpu.memory_space<vmem>> -> memref<128x64xf32, #tpu.memory_space<vmem>>
      %dma_start3A_401 = arith.constant 0 : i32
      %dma_start3A_402 = tpu.memref_slice %arg11[%add3A_377, %dma_start3A_401] : memref<80x128xi32, #tpu.memory_space<vmem>> -> memref<1x128xi32, #tpu.memory_space<vmem>>
      %dma_start3A_403 = tpu.memref_squeeze %dma_start3A_402 : memref<1x128xi32, #tpu.memory_space<vmem>> -> memref<128xi32, #tpu.memory_space<vmem>>
      %dma_start3A_404 = arith.constant 0 : i32
      %dma_start3A_405 = arith.constant 0 : i32
      %dma_start3A_406 = tpu.memref_slice %arg15[%dma_start3A_404, %dma_start3A_405] : memref<10240x64xf32, #tpu.memory_space<vmem_shared>> -> memref<10240x64xf32, #tpu.memory_space<vmem_shared>>
      tpu.enqueue_indirect_dma source(%dma_start3A_400 : memref<128x64xf32, #tpu.memory_space<vmem>>) target(%dma_start3A_406 : memref<10240x64xf32, #tpu.memory_space<vmem_shared>>) offsets(%dma_start3A_403 : memref<128xi32, #tpu.memory_space<vmem>>) semaphore(%arg26 : memref<!tpu.dma_semaphore, #tpu.memory_space<semaphore_mem>>) {add = true}
    }
    %scan3A_181 = arith.constant 16 : i32
    %dma_wait3A_182 = arith.constant 0 : i32
    %dma_wait3A_183 = arith.constant 0 : i32
    %dma_wait3A_184 = arith.constant 0 : i32
    %dma_wait3A_185 = arith.constant 0 : i32
    %dma_wait3A_186 = tpu.memref_slice %arg13[%dma_wait3A_182, %dma_wait3A_184, %dma_wait3A_185] : memref<5x128x64xf32, #tpu.memory_space<vmem>> -> memref<1x128x64xf32, #tpu.memory_space<vmem>>
    %dma_wait3A_187 = tpu.memref_squeeze %dma_wait3A_186 : memref<1x128x64xf32, #tpu.memory_space<vmem>> -> memref<128x64xf32, #tpu.memory_space<vmem>>
    %dma_wait3A_188 = arith.constant 0 : i32
    %dma_wait3A_189 = tpu.memref_slice %arg11[%dma_wait3A_183, %dma_wait3A_188] : memref<80x128xi32, #tpu.memory_space<vmem>> -> memref<1x128xi32, #tpu.memory_space<vmem>>
    %dma_wait3A_190 = tpu.memref_squeeze %dma_wait3A_189 : memref<1x128xi32, #tpu.memory_space<vmem>> -> memref<128xi32, #tpu.memory_space<vmem>>
    %dma_wait3A_191 = arith.constant 0 : i32
    %dma_wait3A_192 = arith.constant 0 : i32
    %dma_wait3A_193 = tpu.memref_slice %arg15[%dma_wait3A_191, %dma_wait3A_192] : memref<10240x64xf32, #tpu.memory_space<vmem_shared>> -> memref<10240x64xf32, #tpu.memory_space<vmem_shared>>
    tpu.wait_indirect_dma semaphore(%arg22 : memref<!tpu.dma_semaphore, #tpu.memory_space<semaphore_mem>>) src(%dma_wait3A_187 : memref<128x64xf32, #tpu.memory_space<vmem>>) dst(%dma_wait3A_193 : memref<10240x64xf32, #tpu.memory_space<vmem_shared>>)
    %dma_wait3A_194 = arith.constant 1 : i32
    %dma_wait3A_195 = arith.constant 0 : i32
    %dma_wait3A_196 = arith.constant 0 : i32
    %dma_wait3A_197 = arith.constant 0 : i32
    %dma_wait3A_198 = tpu.memref_slice %arg13[%dma_wait3A_194, %dma_wait3A_196, %dma_wait3A_197] : memref<5x128x64xf32, #tpu.memory_space<vmem>> -> memref<1x128x64xf32, #tpu.memory_space<vmem>>
    %dma_wait3A_199 = tpu.memref_squeeze %dma_wait3A_198 : memref<1x128x64xf32, #tpu.memory_space<vmem>> -> memref<128x64xf32, #tpu.memory_space<vmem>>
    %dma_wait3A_200 = arith.constant 0 : i32
    %dma_wait3A_201 = tpu.memref_slice %arg11[%dma_wait3A_195, %dma_wait3A_200] : memref<80x128xi32, #tpu.memory_space<vmem>> -> memref<1x128xi32, #tpu.memory_space<vmem>>
    %dma_wait3A_202 = tpu.memref_squeeze %dma_wait3A_201 : memref<1x128xi32, #tpu.memory_space<vmem>> -> memref<128xi32, #tpu.memory_space<vmem>>
    %dma_wait3A_203 = arith.constant 0 : i32
    %dma_wait3A_204 = arith.constant 0 : i32
    %dma_wait3A_205 = tpu.memref_slice %arg15[%dma_wait3A_203, %dma_wait3A_204] : memref<10240x64xf32, #tpu.memory_space<vmem_shared>> -> memref<10240x64xf32, #tpu.memory_space<vmem_shared>>
    tpu.wait_indirect_dma semaphore(%arg23 : memref<!tpu.dma_semaphore, #tpu.memory_space<semaphore_mem>>) src(%dma_wait3A_199 : memref<128x64xf32, #tpu.memory_space<vmem>>) dst(%dma_wait3A_205 : memref<10240x64xf32, #tpu.memory_space<vmem_shared>>)
    %dma_wait3A_206 = arith.constant 2 : i32
    %dma_wait3A_207 = arith.constant 0 : i32
    %dma_wait3A_208 = arith.constant 0 : i32
    %dma_wait3A_209 = arith.constant 0 : i32
    %dma_wait3A_210 = tpu.memref_slice %arg13[%dma_wait3A_206, %dma_wait3A_208, %dma_wait3A_209] : memref<5x128x64xf32, #tpu.memory_space<vmem>> -> memref<1x128x64xf32, #tpu.memory_space<vmem>>
    %dma_wait3A_211 = tpu.memref_squeeze %dma_wait3A_210 : memref<1x128x64xf32, #tpu.memory_space<vmem>> -> memref<128x64xf32, #tpu.memory_space<vmem>>
    %dma_wait3A_212 = arith.constant 0 : i32
    %dma_wait3A_213 = tpu.memref_slice %arg11[%dma_wait3A_207, %dma_wait3A_212] : memref<80x128xi32, #tpu.memory_space<vmem>> -> memref<1x128xi32, #tpu.memory_space<vmem>>
    %dma_wait3A_214 = tpu.memref_squeeze %dma_wait3A_213 : memref<1x128xi32, #tpu.memory_space<vmem>> -> memref<128xi32, #tpu.memory_space<vmem>>
    %dma_wait3A_215 = arith.constant 0 : i32
    %dma_wait3A_216 = arith.constant 0 : i32
    %dma_wait3A_217 = tpu.memref_slice %arg15[%dma_wait3A_215, %dma_wait3A_216] : memref<10240x64xf32, #tpu.memory_space<vmem_shared>> -> memref<10240x64xf32, #tpu.memory_space<vmem_shared>>
    tpu.wait_indirect_dma semaphore(%arg24 : memref<!tpu.dma_semaphore, #tpu.memory_space<semaphore_mem>>) src(%dma_wait3A_211 : memref<128x64xf32, #tpu.memory_space<vmem>>) dst(%dma_wait3A_217 : memref<10240x64xf32, #tpu.memory_space<vmem_shared>>)
    %dma_wait3A_218 = arith.constant 3 : i32
    %dma_wait3A_219 = arith.constant 0 : i32
    %dma_wait3A_220 = arith.constant 0 : i32
    %dma_wait3A_221 = arith.constant 0 : i32
    %dma_wait3A_222 = tpu.memref_slice %arg13[%dma_wait3A_218, %dma_wait3A_220, %dma_wait3A_221] : memref<5x128x64xf32, #tpu.memory_space<vmem>> -> memref<1x128x64xf32, #tpu.memory_space<vmem>>
    %dma_wait3A_223 = tpu.memref_squeeze %dma_wait3A_222 : memref<1x128x64xf32, #tpu.memory_space<vmem>> -> memref<128x64xf32, #tpu.memory_space<vmem>>
    %dma_wait3A_224 = arith.constant 0 : i32
    %dma_wait3A_225 = tpu.memref_slice %arg11[%dma_wait3A_219, %dma_wait3A_224] : memref<80x128xi32, #tpu.memory_space<vmem>> -> memref<1x128xi32, #tpu.memory_space<vmem>>
    %dma_wait3A_226 = tpu.memref_squeeze %dma_wait3A_225 : memref<1x128xi32, #tpu.memory_space<vmem>> -> memref<128xi32, #tpu.memory_space<vmem>>
    %dma_wait3A_227 = arith.constant 0 : i32
    %dma_wait3A_228 = arith.constant 0 : i32
    %dma_wait3A_229 = tpu.memref_slice %arg15[%dma_wait3A_227, %dma_wait3A_228] : memref<10240x64xf32, #tpu.memory_space<vmem_shared>> -> memref<10240x64xf32, #tpu.memory_space<vmem_shared>>
    tpu.wait_indirect_dma semaphore(%arg25 : memref<!tpu.dma_semaphore, #tpu.memory_space<semaphore_mem>>) src(%dma_wait3A_223 : memref<128x64xf32, #tpu.memory_space<vmem>>) dst(%dma_wait3A_229 : memref<10240x64xf32, #tpu.memory_space<vmem_shared>>)
    %dma_wait3A_230 = arith.constant 4 : i32
    %dma_wait3A_231 = arith.constant 0 : i32
    %dma_wait3A_232 = arith.constant 0 : i32
    %dma_wait3A_233 = arith.constant 0 : i32
    %dma_wait3A_234 = tpu.memref_slice %arg13[%dma_wait3A_230, %dma_wait3A_232, %dma_wait3A_233] : memref<5x128x64xf32, #tpu.memory_space<vmem>> -> memref<1x128x64xf32, #tpu.memory_space<vmem>>
    %dma_wait3A_235 = tpu.memref_squeeze %dma_wait3A_234 : memref<1x128x64xf32, #tpu.memory_space<vmem>> -> memref<128x64xf32, #tpu.memory_space<vmem>>
    %dma_wait3A_236 = arith.constant 0 : i32
    %dma_wait3A_237 = tpu.memref_slice %arg11[%dma_wait3A_231, %dma_wait3A_236] : memref<80x128xi32, #tpu.memory_space<vmem>> -> memref<1x128xi32, #tpu.memory_space<vmem>>
    %dma_wait3A_238 = tpu.memref_squeeze %dma_wait3A_237 : memref<1x128xi32, #tpu.memory_space<vmem>> -> memref<128xi32, #tpu.memory_space<vmem>>
    %dma_wait3A_239 = arith.constant 0 : i32
    %dma_wait3A_240 = arith.constant 0 : i32
    %dma_wait3A_241 = tpu.memref_slice %arg15[%dma_wait3A_239, %dma_wait3A_240] : memref<10240x64xf32, #tpu.memory_space<vmem_shared>> -> memref<10240x64xf32, #tpu.memory_space<vmem_shared>>
    tpu.wait_indirect_dma semaphore(%arg26 : memref<!tpu.dma_semaphore, #tpu.memory_space<semaphore_mem>>) src(%dma_wait3A_235 : memref<128x64xf32, #tpu.memory_space<vmem>>) dst(%dma_wait3A_241 : memref<10240x64xf32, #tpu.memory_space<vmem_shared>>)
    %barrier3A_242 = arith.constant 0 : index
    tpu.barrier barrier_id(%barrier3A_242)
    %run_scoped3A_243 = arith.constant 1 : i32
    "tpu.region"() ({
      %run_scoped3A_244 = tpu.sem_alloc : memref<!tpu.dma_semaphore, #tpu.memory_space<semaphore_mem>>
      %dma_start3A_245 = arith.constant 0 : i32
      %dma_start3A_246 = tpu.memref_slice %arg9[%arg0, %run_scoped3A_243, %mul3A_2, %dma_start3A_245] : memref<2x2x10240x64xf32, #tpu.memory_space<hbm>> -> memref<1x1x640x64xf32, #tpu.memory_space<hbm>>
      %dma_start3A_247 = tpu.memref_squeeze %dma_start3A_246 : memref<1x1x640x64xf32, #tpu.memory_space<hbm>> -> memref<640x64xf32, #tpu.memory_space<hbm>>
      %dma_start3A_248 = arith.constant 0 : i32
      %dma_start3A_249 = tpu.memref_slice %arg15[%mul3A_2, %dma_start3A_248] : memref<10240x64xf32, #tpu.memory_space<vmem_shared>> -> memref<640x64xf32, #tpu.memory_space<vmem_shared>>
      tpu.enqueue_dma source(%dma_start3A_249 : memref<640x64xf32, #tpu.memory_space<vmem_shared>>) target(%dma_start3A_247 : memref<640x64xf32, #tpu.memory_space<hbm>>) target_semaphore(%run_scoped3A_244 : memref<!tpu.dma_semaphore, #tpu.memory_space<semaphore_mem>>)
      %dma_wait3A_250 = arith.constant 0 : i32
      %dma_wait3A_251 = tpu.memref_slice %arg9[%arg0, %run_scoped3A_243, %mul3A_2, %dma_wait3A_250] : memref<2x2x10240x64xf32, #tpu.memory_space<hbm>> -> memref<1x1x640x64xf32, #tpu.memory_space<hbm>>
      %dma_wait3A_252 = tpu.memref_squeeze %dma_wait3A_251 : memref<1x1x640x64xf32, #tpu.memory_space<hbm>> -> memref<640x64xf32, #tpu.memory_space<hbm>>
      %dma_wait3A_253 = arith.constant 0 : i32
      %dma_wait3A_254 = tpu.memref_slice %arg15[%mul3A_2, %dma_wait3A_253] : memref<10240x64xf32, #tpu.memory_space<vmem_shared>> -> memref<640x64xf32, #tpu.memory_space<vmem_shared>>
      tpu.wait_dma2 semaphore(%run_scoped3A_244 : memref<!tpu.dma_semaphore, #tpu.memory_space<semaphore_mem>>) src(%dma_wait3A_254 : memref<640x64xf32, #tpu.memory_space<vmem_shared>>) dst(%dma_wait3A_252 : memref<640x64xf32, #tpu.memory_space<hbm>>)
      tpu.yield
    }) : () -> ()
    return
  }
}

module attributes {stable_mosaic.version = 14 : i64} {
  func.func @body(%arg0: i32, %arg1: memref<1000x128xf32, #tpu.memory_space<vmem>>, %arg2: memref<2x2x1000x64xf32, #tpu.memory_space<vmem>>, %arg3: memref<2x1000x16xf32, #tpu.memory_space<vmem>>, %arg4: memref<128x128xf32, #tpu.memory_space<vmem>>, %arg5: memref<128x128xf32, #tpu.memory_space<vmem>>, %arg6: memref<1x128xf32, #tpu.memory_space<vmem>>, %arg7: memref<1x128xf32, #tpu.memory_space<vmem>>, %arg8: memref<1000x128xf32, #tpu.memory_space<vmem>>) attributes {dimension_semantics = [#tpu.dimension_semantics<arbitrary>], iteration_bounds = array<i64: 10>, scalar_prefetch = 0 : i64, scratch_operands = 0 : i64, tpu.core_type = #tpu.core_type<tc>, window_params = [{transform_indices = @transform_0, window_bounds = array<i64: 1000, 128>}, {transform_indices = @transform_1, window_bounds = array<i64: 2, 2, 1000, 64>}, {transform_indices = @transform_2, window_bounds = array<i64: 2, 1000, 16>}, {pipeline_mode = #tpu.pipeline_mode<synchronous>, transform_indices = @transform_3, window_bounds = array<i64: 128, 128>}, {pipeline_mode = #tpu.pipeline_mode<synchronous>, transform_indices = @transform_4, window_bounds = array<i64: 128, 128>}, {pipeline_mode = #tpu.pipeline_mode<synchronous>, transform_indices = @transform_5, window_bounds = array<i64: 1, 128>}, {pipeline_mode = #tpu.pipeline_mode<synchronous>, transform_indices = @transform_6, window_bounds = array<i64: 1, 128>}, {transform_indices = @transform_7, window_bounds = array<i64: 1000, 128>}]} {
    %get3A = arith.constant 0 : index
    %get3A_0 = arith.constant 0 : index
    %get3A_1 = vector.load %arg1[%get3A, %get3A_0] : memref<1000x128xf32, #tpu.memory_space<vmem>>, vector<1000x128xf32>
    %get3A_2 = arith.constant 0 : index
    %get3A_3 = arith.constant 0 : index
    %get3A_4 = arith.constant 0 : index
    %get3A_5 = arith.constant 0 : index
    %get3A_6 = vector.load %arg2[%get3A_2, %get3A_3, %get3A_4, %get3A_5] : memref<2x2x1000x64xf32, #tpu.memory_space<vmem>>, vector<1x1x1000x64xf32>
    %get3A_7 = vector.shape_cast %get3A_6 : vector<1x1x1000x64xf32> to vector<1000x64xf32>
    %get3A_8 = arith.constant 1 : index
    %get3A_9 = arith.constant 0 : index
    %get3A_10 = arith.constant 0 : index
    %get3A_11 = arith.constant 0 : index
    %get3A_12 = vector.load %arg2[%get3A_8, %get3A_9, %get3A_10, %get3A_11] : memref<2x2x1000x64xf32, #tpu.memory_space<vmem>>, vector<1x1x1000x64xf32>
    %get3A_13 = vector.shape_cast %get3A_12 : vector<1x1x1000x64xf32> to vector<1000x64xf32>
    %add3A = arith.addf %get3A_7, %get3A_13 : vector<1000x64xf32>
    %get3A_14 = arith.constant 0 : index
    %get3A_15 = arith.constant 1 : index
    %get3A_16 = arith.constant 0 : index
    %get3A_17 = arith.constant 0 : index
    %get3A_18 = vector.load %arg2[%get3A_14, %get3A_15, %get3A_16, %get3A_17] : memref<2x2x1000x64xf32, #tpu.memory_space<vmem>>, vector<1x1x1000x64xf32>
    %get3A_19 = vector.shape_cast %get3A_18 : vector<1x1x1000x64xf32> to vector<1000x64xf32>
    %get3A_20 = arith.constant 1 : index
    %get3A_21 = arith.constant 1 : index
    %get3A_22 = arith.constant 0 : index
    %get3A_23 = arith.constant 0 : index
    %get3A_24 = vector.load %arg2[%get3A_20, %get3A_21, %get3A_22, %get3A_23] : memref<2x2x1000x64xf32, #tpu.memory_space<vmem>>, vector<1x1x1000x64xf32>
    %get3A_25 = vector.shape_cast %get3A_24 : vector<1x1x1000x64xf32> to vector<1000x64xf32>
    %add3A_26 = arith.addf %get3A_19, %get3A_25 : vector<1000x64xf32>
    %concatenate3A = tpu.concatenate %add3A, %add3A_26 in 1 : vector<1000x64xf32>, vector<1000x64xf32> -> vector<1000x128xf32>
    %get3A_27 = arith.constant 0 : index
    %get3A_28 = arith.constant 0 : index
    %get3A_29 = arith.constant 0 : index
    %get3A_30 = vector.load %arg3[%get3A_27, %get3A_28, %get3A_29] : memref<2x1000x16xf32, #tpu.memory_space<vmem>>, vector<1x1000x1xf32>
    %get3A_31 = vector.shape_cast %get3A_30 : vector<1x1000x1xf32> to vector<1000xf32>
    %get3A_32 = arith.constant 1 : index
    %get3A_33 = arith.constant 0 : index
    %get3A_34 = arith.constant 0 : index
    %get3A_35 = vector.load %arg3[%get3A_32, %get3A_33, %get3A_34] : memref<2x1000x16xf32, #tpu.memory_space<vmem>>, vector<1x1000x1xf32>
    %get3A_36 = vector.shape_cast %get3A_35 : vector<1x1000x1xf32> to vector<1000xf32>
    %add3A_37 = arith.addf %get3A_31, %get3A_36 : vector<1000xf32>
    %max3A = arith.constant 1.000000e+00 : f32
    %max3A_38 = vector.broadcast %max3A : f32 to vector<1000xf32>
    %max3A_39 = arith.maximumf %add3A_37, %max3A_38 : vector<1000xf32>
    %broadcast_in_dim3A = vector.shape_cast %max3A_39 : vector<1000xf32> to vector<1000x1xf32>
    %div3A = vector.broadcast %broadcast_in_dim3A : vector<1000x1xf32> to vector<1000x128xf32>
    %div3A_40 = arith.divf %concatenate3A, %div3A : vector<1000x128xf32>
    %get3A_41 = arith.constant 0 : index
    %get3A_42 = arith.constant 0 : index
    %get3A_43 = vector.load %arg5[%get3A_41, %get3A_42] : memref<128x128xf32, #tpu.memory_space<vmem>>, vector<128x128xf32>
    %dot_general3A = arith.constant dense<0.000000e+00> : vector<1000x128xf32>
    %dot_general3A_44 = tpu.matmul %div3A_40, %get3A_43, %dot_general3A {dimension_numbers = #tpu.dot_dimension_numbers<[1], [0], [0], [1], [0, 0, 1, 1], [], []>, transpose_lhs_hint = false} : vector<1000x128xf32>, vector<128x128xf32>, vector<1000x128xf32> -> vector<1000x128xf32>
    %get3A_45 = arith.constant 0 : index
    %get3A_46 = arith.constant 0 : index
    %get3A_47 = vector.load %arg7[%get3A_45, %get3A_46] : memref<1x128xf32, #tpu.memory_space<vmem>>, vector<1x128xf32>
    %add3A_48 = vector.broadcast %get3A_47 : vector<1x128xf32> to vector<1000x128xf32>
    %add3A_49 = arith.addf %dot_general3A_44, %add3A_48 : vector<1000x128xf32>
    %get3A_50 = arith.constant 0 : index
    %get3A_51 = arith.constant 0 : index
    %get3A_52 = vector.load %arg4[%get3A_50, %get3A_51] : memref<128x128xf32, #tpu.memory_space<vmem>>, vector<128x128xf32>
    %dot_general3A_53 = arith.constant dense<0.000000e+00> : vector<1000x128xf32>
    %dot_general3A_54 = tpu.matmul %get3A_1, %get3A_52, %dot_general3A_53 {dimension_numbers = #tpu.dot_dimension_numbers<[1], [0], [0], [1], [0, 0, 1, 1], [], []>, transpose_lhs_hint = false} : vector<1000x128xf32>, vector<128x128xf32>, vector<1000x128xf32> -> vector<1000x128xf32>
    %get3A_55 = arith.constant 0 : index
    %get3A_56 = arith.constant 0 : index
    %get3A_57 = vector.load %arg6[%get3A_55, %get3A_56] : memref<1x128xf32, #tpu.memory_space<vmem>>, vector<1x128xf32>
    %add3A_58 = vector.broadcast %get3A_57 : vector<1x128xf32> to vector<1000x128xf32>
    %add3A_59 = arith.addf %dot_general3A_54, %add3A_58 : vector<1000x128xf32>
    %broadcast_in_dim3A_60 = vector.shape_cast %add3A_37 : vector<1000xf32> to vector<1000x1xf32>
    %gt3A = arith.constant 0.000000e+00 : f32
    %gt3A_61 = vector.broadcast %gt3A : f32 to vector<1000x1xf32>
    %gt3A_62 = arith.cmpf ogt, %broadcast_in_dim3A_60, %gt3A_61 : vector<1000x1xf32>
    %jit3A = arith.constant 0.000000e+00 : f32
    %broadcast_in_dim3A_63 = vector.shape_cast %gt3A_62 : vector<1000x1xi1> to vector<1000x1xi1>
    %broadcast_in_dim3A_64 = vector.broadcast %broadcast_in_dim3A_63 : vector<1000x1xi1> to vector<1000x128xi1>
    %broadcast_in_dim3A_65 = vector.broadcast %jit3A : f32 to vector<1000x128xf32>
    %select_n3A = arith.select %broadcast_in_dim3A_64, %add3A_49, %broadcast_in_dim3A_65 : vector<1000x128xi1>, vector<1000x128xf32>
    %add3A_66 = arith.addf %add3A_59, %select_n3A : vector<1000x128xf32>
    %max3A_67 = arith.constant 0.000000e+00 : f32
    %max3A_68 = vector.broadcast %max3A_67 : f32 to vector<1000x128xf32>
    %max3A_69 = arith.maximumf %add3A_66, %max3A_68 : vector<1000x128xf32>
    %swap3A = arith.constant 0 : index
    %swap3A_70 = arith.constant 0 : index
    %swap3A_71 = vector.load %arg8[%swap3A, %swap3A_70] : memref<1000x128xf32, #tpu.memory_space<vmem>>, vector<1000x128xf32>
    tpu.vector_store %arg8[%swap3A, %swap3A_70], %max3A_69 {strides = array<i32>} : memref<1000x128xf32, #tpu.memory_space<vmem>>, vector<1000x128xf32>,
    return
  }
  func.func @transform_0(%arg0: i32) -> (i32, i32) {
    %c0_i32 = arith.constant 0 : i32
    %c0_i32_0 = arith.constant 0 : i32
    return %arg0, %c0_i32 : i32, i32
  }
  func.func @transform_1(%arg0: i32) -> (i32, i32, i32, i32) {
    %c0_i32 = arith.constant 0 : i32
    %c0_i32_0 = arith.constant 0 : i32
    %c0_i32_1 = arith.constant 0 : i32
    %c0_i32_2 = arith.constant 0 : i32
    return %c0_i32, %c0_i32_0, %arg0, %c0_i32_1 : i32, i32, i32, i32
  }
  func.func @transform_2(%arg0: i32) -> (i32, i32, i32) {
    %c0_i32 = arith.constant 0 : i32
    %c0_i32_0 = arith.constant 0 : i32
    %c0_i32_1 = arith.constant 0 : i32
    return %c0_i32, %arg0, %c0_i32_0 : i32, i32, i32
  }
  func.func @transform_3(%arg0: i32) -> (i32, i32) {
    %c0_i32 = arith.constant 0 : i32
    %c0_i32_0 = arith.constant 0 : i32
    %c0_i32_1 = arith.constant 0 : i32
    return %c0_i32, %c0_i32_0 : i32, i32
  }
  func.func @transform_4(%arg0: i32) -> (i32, i32) {
    %c0_i32 = arith.constant 0 : i32
    %c0_i32_0 = arith.constant 0 : i32
    %c0_i32_1 = arith.constant 0 : i32
    return %c0_i32, %c0_i32_0 : i32, i32
  }
  func.func @transform_5(%arg0: i32) -> (i32, i32) {
    %c0_i32 = arith.constant 0 : i32
    %c0_i32_0 = arith.constant 0 : i32
    %c0_i32_1 = arith.constant 0 : i32
    return %c0_i32, %c0_i32_0 : i32, i32
  }
  func.func @transform_6(%arg0: i32) -> (i32, i32) {
    %c0_i32 = arith.constant 0 : i32
    %c0_i32_0 = arith.constant 0 : i32
    %c0_i32_1 = arith.constant 0 : i32
    return %c0_i32, %c0_i32_0 : i32, i32
  }
  func.func @transform_7(%arg0: i32) -> (i32, i32) {
    %c0_i32 = arith.constant 0 : i32
    %c0_i32_0 = arith.constant 0 : i32
    return %arg0, %c0_i32 : i32, i32
  }
}

</mosaic_0001>

<sc_bundles>
// kernel: kernel.4.cloned.1.call-start
scs
__scs_entry_jumppad:
0x0: {  	(pc) =	sbr.rel $0x88, $3  }
0x1: {  	(tag) =	ssettag $0x0;
	lr =	simm.s32 $0x1  }
0x2: {  	[smem:$0x3F9B] =	sst lr;
	_ =	strace $0xD0000000  }
0x3: {  	_ = 	snop  }
0x4: {  	_ = 	snop  }
0x5: {  	_ = 	snop  }
0x6: {  	_ = 	snop  }
0x7: {  	_ = 	snop  }
__scs_overlays_trampoline_lowered:
0x8: {  	[smem:$0x3FAA] =	sst s0  }
0x9: {  	[smem:$0x3FAB] =	sst s1  }
0xa: {  	[smem:$0x3FAC] =	sst s2  }
0xb: {  	[smem:$0x3FAD] =	sst s3  }
0xc: {  	[smem:$0x3FAE] =	sst s4  }
0xd: {  	[smem:$0x3FAF] =	sst s5  }
0xe: {  	[smem:$0x3FB0] =	sst s6  }
0xf: {  	[smem:$0x3FB1] =	sst s7  }
0x10: {  	[smem:$0x3FB2] =	sst s8  }
0x11: {  	[smem:$0x3FB3] =	sst s9;
	s0 =	simm.s32 @!p0 $0x0  }
0x12: {  	s1 =	sld [smem:$0x3F99];
	s0 =	simm.s32 @p0 $0x1  }
0x13: {  	[smem:$0x3FB4] =	sst s0;
	s0 =	simm.s32 @!p1 $0x0  }
0x14: {  	s2 =	sld [smem:$0x3F98];
	s0 =	simm.s32 @p1 $0x1  }
0x15: {  	[smem:$0x3FB5] =	sst s0;
	s0 =	simm.s32 @!p2 $0x0  }
0x16: {  	s3 =	sld [smem:$0x3FDB];
	s0 =	simm.s32 @p2 $0x1  }
0x17: {  	s4 =	simm.s32 $0x1BF5;
	[smem:$0x3FB7] =	sst s0  }
0x18: {  	s0 =	sld [smem:$0x3F9A];
	_ =	swait.ge [sflag:s4], $0x0  }
0x19: {  	s7 =	sld [smem:$0x3F9B]  }
0x1a: {  	s8 =	sadd.s32 $0xFFFFE003, lr  }
0x1b: {  	s9 =	sadd.s32 $0xFFFFFEF7, lr;
	s5 =	simm.s32 $0xFFFFFFFF;
	p2 =	slt.u32 s8, $0xFFFFF086  }
0x1c: {  	p1 =	slt.u32 s9, $0xF7A;
	s5 =	simm.s32 @!p2 $0x0  }
0x1d: {  	s5 =	simm.s32 @p1 $0x1;
	p0 =	seq.s32 s7, s2  }
0x1e: {  	s7 =	smul.u32 @!p0 $0xF7A, s2;
	p2 =	seq.s32 @!p0 s5, $0x0  }
0x1f: {  	s9 =	smul.u32 $0xF7A, s1;
	s8 =	simm.s32 @!p0 $0x1BF5;
	p2 =	por !p2, p0  }
0x20: {  	[sflag:s8] =	ssyncset.s32 @!p0 $0xFFFFF086;
	s6 =	sadd.s32 @!p0 s3, s7;
	s7 =	simm.s32 @!p0 $0x108  }
0x21: {  	s3 =	sadd.s32 s3, s9;
	s6 =	sadd.s32 @!p0 $0x88, s6;
	s7 =	simm.s32 @p2 $0x1082  }
0x22: {  	[simem:s7], [sflag:s8] =	dma.local @!p0 [hbm:s6], $0xF7A  }
0x23: {  	s9 =	sor.u32 $0xD0000000, s2;
	s6 =	simm.s32 $0x108;
	_ =	swait.ge @!p0 [sflag:s8], $0x0  }
0x24: {  	s3 =	sadd.s32 $0x88, s3;
	s6 =	simm.s32 @!p1 $0x1082;
	[sflag:s4] =	ssyncset.s32 $0xFFFFF086  }
0x25: {  	[simem:s6], [sflag:s4] =	dma.local [hbm:s3], $0xF7A  }
0x26: {  	[smem:$0x3F9B] =	sst s1;
	(tag) =	ssettag s2;
	_ =	strace s9  }
0x27: {  	s1 =	sld [smem:$0x3FAB]  }
0x28: {  	s2 =	sld [smem:$0x3FAC]  }
0x29: {  	s4 =	sld [smem:$0x3FAE]  }
0x2a: {  	p0 =	seq.s32 s5, $0x0;
	s5 =	sld [smem:$0x3FAF]  }
0x2b: {  	s6 =	sld [smem:$0x3FB0]  }
0x2c: {  	s7 =	sld [smem:$0x3FB1]  }
0x2d: {  	s3 =	simm.s32 $0x108;
	s8 =	sld [smem:$0x3FB2]  }
0x2e: {  	s3 =	simm.s32 @!p0 $0x1082;
	s9 =	sld [smem:$0x3FB3]  }
0x2f: {  	lr =	sadd.s32 s0, s3;
	s0 =	sld [smem:$0x3FAA]  }
0x30: {  	s3 =	sld [smem:$0x3FAD]  }
0x31: {  	[smem:$0x3FB6] =	sst s10  }
0x32: {  	s10 =	sld [smem:$0x3FB4];
	_ =	sdelay $0x3  }
0x33: {  	p0 =	seq.s32 s10, $0x1;
	s10 =	sld [smem:$0x3FB6];
	_ =	sdelay $0x3  }
0x34: {  	[smem:$0x3FB6] =	sst s10  }
0x35: {  	s10 =	sld [smem:$0x3FB5];
	_ =	sdelay $0x3  }
0x36: {  	p1 =	seq.s32 s10, $0x1;
	s10 =	sld [smem:$0x3FB6];
	_ =	sdelay $0x3  }
0x37: {  	[smem:$0x3FB6] =	sst s10  }
0x38: {  	s10 =	sld [smem:$0x3FB7]  }
0x39: {  	_ = 	snop;
	(pc) =	sbr.ind lr, $3  }
0x3a: {  	_ = 	snop  }
0x3b: {  	_ = 	snop  }
0x3c: {  	p2 =	seq.s32 s10, $0x1;
	s10 =	sld [smem:$0x3FB6]  }
0x3d: {  	_ =	shalt  }
0x3e: {  	_ =	shalt  }
0x3f: {  	_ =	shalt  }
0x40: {  	_ =	shalt  }
0x41: {  	_ =	shalt  }
0x42: {  	_ =	shalt  }
0x43: {  	_ =	shalt  }
0x44: {  	_ =	shalt  }
0x45: {  	_ =	shalt  }
0x46: {  	_ =	shalt  }
0x47: {  	_ =	shalt  }
0x48: {  	_ =	shalt  }
0x49: {  	_ =	shalt  }
0x4a: {  	_ =	shalt  }
0x4b: {  	_ =	shalt  }
0x4c: {  	_ =	shalt  }
0x4d: {  	_ =	shalt  }
0x4e: {  	_ =	shalt  }
0x4f: {  	_ =	shalt  }
0x50: {  	_ =	shalt  }
0x51: {  	_ =	shalt  }
0x52: {  	_ =	shalt  }
0x53: {  	_ =	shalt  }
0x54: {  	_ =	shalt  }
0x55: {  	_ =	shalt  }
0x56: {  	_ =	shalt  }
0x57: {  	_ =	shalt  }
0x58: {  	_ =	shalt  }
0x59: {  	_ =	shalt  }
0x5a: {  	_ =	shalt  }
0x5b: {  	_ =	shalt  }
0x5c: {  	_ =	shalt  }
0x5d: {  	_ =	shalt  }
0x5e: {  	_ =	shalt  }
0x5f: {  	_ =	shalt  }
0x60: {  	_ =	shalt  }
0x61: {  	_ =	shalt  }
0x62: {  	_ =	shalt  }
0x63: {  	_ =	shalt  }
0x64: {  	_ =	shalt  }
0x65: {  	_ =	shalt  }
0x66: {  	_ =	shalt  }
0x67: {  	_ =	shalt  }
0x68: {  	_ =	shalt  }
0x69: {  	_ =	shalt  }
0x6a: {  	_ =	shalt  }
0x6b: {  	_ =	shalt  }
0x6c: {  	_ =	shalt  }
0x6d: {  	_ =	shalt  }
0x6e: {  	_ =	shalt  }
0x6f: {  	_ =	shalt  }
0x70: {  	_ =	shalt  }
0x71: {  	_ =	shalt  }
0x72: {  	_ =	shalt  }
0x73: {  	_ =	shalt  }
0x74: {  	_ =	shalt  }
0x75: {  	_ =	shalt  }
0x76: {  	_ =	shalt  }
0x77: {  	_ =	shalt  }
0x78: {  	_ =	shalt  }
0x79: {  	_ =	shalt  }
0x7a: {  	_ =	shalt  }
0x7b: {  	_ =	shalt  }
0x7c: {  	_ =	shalt  }
0x7d: {  	_ =	shalt  }
0x7e: {  	_ =	shalt  }
0x7f: {  	_ =	shalt  }
0x80: {  	_ =	shalt  }
0x81: {  	_ =	shalt  }
0x82: {  	_ =	shalt  }
0x83: {  	_ =	shalt  }
0x84: {  	_ =	shalt  }
0x85: {  	_ =	shalt  }
0x86: {  	_ =	shalt  }
0x87: {  	_ =	shalt  }
.Lfunc_end0:
.L_simem_size_0:
called_computation_lowered:
.L_overlay_start_0:
0x88: {  	s2 =	sld [smem:$0x3FD9]  }
0x89: {  	s3 =	sld [smem:$0x3FFE];
	_ =	sdelay $0x1  }
0x8a: {  	s1 =	srdreg.scid  }
0x8b: {  	s0 =	sand.u32 $0x1, s1  }
0x8c: {  	s17 =	sshll.u32 s0, $0xA;
	s2 =	sadd.s32 s3, s2  }
0x8d: {  	s2 =	sadd.s32 s2, s17  }
0x8e: {  	[smem:$0x3FC2] =	sst s2  }
0x8f: {  	_ = 	snop  }
0x90: {  	s2 =	sld [smem:$0x3FD0];
	(tm) =	ssettm $0x1  }
0x91: {  	s18 =	sld [smem:$0x3FFB];
	_ =	sdelay $0x3  }
0x92: {  	_ =	strace s18  }
0x93: {  	s3 =	sld [smem:$0x3FFC];
	_ =	sdelay $0x3  }
0x94: {  	_ =	strace s3  }
0x95: {  	s3 =	sld [smem:$0x3FFD];
	_ =	sdelay $0x3  }
0x96: {  	_ =	strace s3  }
0x97: {  	_ =	strace $0x8FFFFFFF  }
0x98: {  	s19 =	sld [smem:$0x3FDB];
	_ =	sdelay $0x1  }
0x99: {  	s4 =	simm.s32 $_scs_section_size  }
0x9a: {  	s5 =	simm.s32 $_size__tile_overlayer_lowered;
	s6 =	simm.s32 $_tile_overlayer_lowered  }
0x9b: {  	s22 =	simm.s32 $0x1BFF;
	s21 =	sshll.u32 s6, $0x1;
	s3 =	sadd.s32 s4, s19  }
0x9c: {  	s7 =	simm.s32 $0x0;
	s20 =	sshll.u32 s5, $0x1;
	s5 =	sadd.s32 s21, s3  }
0x9d: {  	[timem:s7], [sflag:s22] =	dma.local [hbm:s5], s20  }
0x9e: {  	_ =	swait.ge [sflag:s22], s20  }
0x9f: {  	s4 =	ssub.s32 $0x0, s20;
	[sflag:s22] =	ssyncset.done $0x0  }
0xa0: {  	[sflag:s22] =	ssyncadd.s32 s4;
	_ =	sdelay $0x1  }
0xa1: {  	s23 =	simm.s32 $0x1B8B  }
0xa2: {  	_ =	swait.ge [sflag:s23], $0x1  }
0xa3: {  	[sflag:s23] =	ssyncset.done $0x0  }
0xa4: {  	s25 =	simm.s32 $0x1B8E;
	s24 =	sld [smem:$0x3FFE];
	[sflag:s23] =	ssyncadd.s32 $0xFFFFFFFF  }
0xa5: {  	s26 =	simm.s32 $execute0_lowered;
	[smem:$0x3FD2] =	sst s25  }
0xa6: {  	s5 =	sshll.u32 s26, $0x1;
	_ =	strace $0x80000046;
	[dreg:$0x1] =	wrdreg $0xFFFFFFFF  }
0xa7: {  	s28 =	simm.s32 $_size_execute0_lowered;
	s3 =	sadd.s32 s3, s5;
	[dreg:$0x0] =	wrdreg $0x0  }
0xa8: {  	s5 =	sshll.u32 s28, $0x1;
	[dreg:$0x2] =	wrdreg s3  }
0xa9: {  	[dreg:$0x3] =	wrdreg s5  }
0xaa: {  	[dreg:$0x4] =	wrdreg $0xC0  }
0xab: {  	_ =	task [dreg:s7], $0x5FFFF  }
0xac: {  	[dreg:$0x1] =	wrdreg $0xFFFFFFFF  }
0xad: {  	[dreg:$0x0] =	wrdreg $0x60  }
0xae: {  	[dreg:$0x2] =	wrdreg s2  }
0xaf: {  	[dreg:$0x3] =	wrdreg s24  }
0xb0: {  	[dreg:$0x4] =	wrdreg $0xF8000  }
0xb1: {  	[dreg:$0x5] =	wrdreg $0x198000  }
0xb2: {  	[dreg:$0x6] =	wrdreg $0x9  }
0xb3: {  	_ =	task.clear_ibuf [dreg:s7], $0x7FFFF;
	_ =	strace $0x90000046  }
0xb4: {  	s29 =	simm.s32 $0x9;
	_ =	strace $0x80000048  }
0xb5: {  	_ =	swait.ge [sflag:s29], $0x1  }
0xb6: {  	[sflag:s29] =	ssyncadd.s32 $0xFFFFFFFF  }
0xb7: {  	_ =	strace $0x90000048  }
0xb8: {  	_ =	sfence  }
0xb9: {  	s30 =	sld [smem:$0x0];
	_ =	sdelay $0x2  }
0xba: {  	s31 =	sshll.u32 s1, $0xD;
	s1 =	sshrl.u32 s1, $0x2  }
0xbb: {  	s3 =	sand.u32 $0x4000, s31;
	s1 =	sadd.s32 s1, s30  }
0xbc: {  	s0 =	sor.u32 s3, s0;
	s1 =	sshll.u32 s1, $0x11  }
0xbd: {  	s0 =	sor.u32 s1, s0  }
0xbe: {  	s0 =	sadd.s32 $0x8F2B, s0  }
0xbf: {  	[sflag:s0] =	ssyncadd.remote.s32 $0x1  }
0xc0: {  	_ =	sfence.sel $0xFFFF  }
0xc1: {  	[dreg:$0x0] =	wrdreg $0xFFFFFFFF;
	(pc) =	sbr.abs _section_cstart, $3  }
0xc2: {  	[dreg:$0x1] =	wrdreg $0xFFFFFFFF  }
0xc3: {  	_ =	task.clear_ibuf [dreg:s7], $0x2FFFF;
	_ =	strace $0x9FFFFFFF  }
0xc4: {  	(tm) =	ssettm $0x7FFFFFFF  }
0xc5: {  	_ =	shalt  }
tec
execute0_lowered:
.L_overlay_start_1:
0x0: {  	(tag) =	ssettag $0x1  }
0x1: {  	s1 =	rddreg [dreg:$0x0];
	s0 =	srdreg.scid  }
0x2: {  	s12 =	stileid.u32;
	s2 =	rddreg [dreg:$0x1]  }
0x3: {  	s3 =	rddreg [dreg:$0x2];
	s6 =	simm.s32 $0x0;
	s16 =	simm.s32 $0x10  }
0x4: {  	s28 =	simm.s32 $0x9000;
	s29 =	simm.s32 $0xB000;
	s30 =	simm.s32 $0x1  }
0x5: {  	s31 =	simm.s32 $0xD000;
	s13 =	simm.s32 $0xC;
	s14 =	simm.s32 $0x8  }
0x6: {  	s0 =	sand.u32 $0x1, s0;
	s4 =	sshll.u32 s12, $0x1;
	s7 =	smul.u32 $0xA000, s12  }
0x7: {  	[smem:$0x7FF] =	sst s6;
	s6 =	sadd.s32 $0x1000, s2;
	s9 =	smul.u32 $0x2800, s12  }
0x8: {  	s17 =	sadd.s32 $0x28A00, s2;
	s11 =	sadd.s32 $0x29E00, s2;
	s18 =	sadd.s32 $0x2A400, s2  }
0x9: {  	s25 =	sshll.u32 s12, $0x6;
	s5 =	sor.u32 s0, s4;
	s4 =	rddreg [dreg:$0x3]  }
0xa: {  	s8 =	smul.u32 $0x140000, s0;
	_ =	strace $0x80000047;
	[dreg:$0x6] =	wrdreg s11  }
0xb: {  	s12 =	simm.s32 $0x7;
	s10 =	smul.u32 $0x28000, s0;
	[dreg:$0x7] =	wrdreg s18  }
0xc: {  	s0 =	ssub.s32 $0x2, s0;
	s18 =	simm.s32 $0xF000;
	s11 =	simm.s32 $0x0  }
0xd: {  	[dreg:$0x5] =	wrdreg s17;
	s5 =	smul.u32 $0x500, s5;
	s19 =	sshrl.u32 s0, $0x1  }
0xe: {  	s21 =	sadd.s32 s7, s3;
	s22 =	sadd.s32 s9, s4;
	s8 =	sadd.s32 s7, s8  }
0xf: {  	s10 =	sadd.s32 s9, s10;
	s0 =	ssub.s32 s0, s19;
	s19 =	simm.s32 $0x2800  }
0x10: {  	s21 =	sshrl.u32 s21, $0x3;
	s26 =	sshrl.u32 s22, $0x3;
	s22 =	simm.s32 $0x80  }
0x11: {  	s9 =	simm.s32 $0x4;
	s5 =	sadd.s32 s5, s2;
	s8 =	sshrl.u32 s8, $0x3  }
0x12: {  	s10 =	sshrl.u32 s10, $0x3;
	s0 =	smax.u32 s0, $0x1;
	[dreg:$0x10] =	wrdreg s26  }
0x13: {  	[dreg:$0xf] =	wrdreg s21;
	s8 =	sadd.s32 s8, s2;
	s2 =	sadd.s32 s10, s2  }
0x14: {  	s20 =	sadd.s32 $0x14A00, s5;
	s5 =	sadd.s32 $0x1EA00, s5;
	[dreg:$0xd] =	wrdreg s0  }
0x15: {  	s0 =	simm.s32 $0x6;
	s10 =	simm.s32 $0x5;
	[dreg:$0x8] =	wrdreg s20  }
0x16: {  	[dreg:$0x9] =	wrdreg s5;
	s23 =	sadd.s32 $0x2A600, s8;
	s2 =	sadd.s32 $0x7A600, s2  }
0x17: {  	s24 =	sadd.s32 $0x3E600, s8;
	s20 =	sor.u32 $0x1C10, s25;
	[dreg:$0xa] =	wrdreg s23  }
0x18: {  	s25 =	simm.s32 $0x7000;
	s8 =	simm.s32 $0x3;
	[dreg:$0xb] =	wrdreg s2  }
0x19: {  	s5 =	simm.s32 $0xA;
	[dreg:$0xc] =	wrdreg s24;
	s23 =	simm.s32 $0x5000  }
0x1a: {  	s2 =	simm.s32 $0x2;
	s24 =	simm.s32 $0x9;
	[dreg:$0xe] =	wrdreg s20  }
.LBB2_1:
0x1b: {  	s7 =	simm.s32 $0x0;
	s15 =	rddreg [dreg:$0x8]  }
0x1c: {  	[tilespmem:s7], [sflag:$0x10] =	stream.linear.gather [hbm4b:s15+s7], $0x2800, $0x38;
	[tilespmem:$0x1C000] =	vst v63  }
0x1d: {  	_ =	swait.ge [sflag:s16], $0x2800  }
0x1e: {  	[sflag:s16] =	ssyncset.done $0x0  }
0x1f: {  	s26 =	rddreg [dreg:$0x9];
	[sflag:s16] =	ssyncadd.s32 $0xFFFFD800  }
0x20: {  	[tilespmem:s19], [sflag:$0x10] =	stream.linear.gather [hbm4b:s26+s7], $0x2800, $0x38;
	[tilespmem:$0x1C000] =	vst v63  }
0x21: {  	_ =	swait.ge [sflag:s16], $0x2800  }
0x22: {  	[sflag:s16] =	ssyncset.done $0x0  }
0x23: {  	s26 =	rddreg [dreg:$0x7];
	[sflag:s16] =	ssyncadd.s32 $0xFFFFD800  }
0x24: {  	[tilespmem:s18], [sflag:$0x10] =	stream.linear.gather [hbm4b:s26+s7], $0x800, $0x38;
	[tilespmem:$0x1C000] =	vst v63  }
0x25: {  	_ =	swait.ge [sflag:s16], $0x800  }
0x26: {  	[sflag:s16] =	ssyncset.done $0x0  }
0x27: {  	[sflag:s16] =	ssyncadd.s32 $0xFFFFF800  }
0x28: {  	[spmem:s21], [sflag:s20] =	dma.local [hbm:s17], $0x1400  }
0x29: {  	_ =	swait.ge [sflag:s16], $0x1400  }
0x2a: {  	[sflag:s16] =	ssyncset.done $0x0;
	s15 =	rddreg [dreg:$0x6]  }
0x2b: {  	s17 =	rddreg [dreg:$0x10];
	[sflag:s16] =	ssyncadd.s32 $0xFFFFEC00  }
0x2c: {  	[spmem:s17], [sflag:s20] =	dma.local [hbm:s15], $0x500  }
0x2d: {  	_ =	swait.ge [sflag:s16], $0x500  }
0x2e: {  	[sflag:s16] =	ssyncset.done $0x0  }
0x2f: {  	[sflag:s16] =	ssyncadd.s32 $0xFFFFFB00  }
0x30: {  	[bflag:$0x0] =	sbarrier.arrive $0xFFFF  }
0x31: {  	[tilespmem:s23], [sflag:$0x1] =	stream.indirect.gather [hbm4b:s1+s22], $0x40, s19, s22, $0xb8;
	[tilespmem:$0x1C000] =	vst v63  }
.Ltmp0:
0x32: {  	_ = 	snop;
	(pc) =	sbr.rel .LBB2_2-.Ltmp0, $4  }
0x33: {  	s21 =	simm.s32 $0x2880  }
0x34: {  	[tilespmem:s25], [sflag:$0x2] =	stream.indirect.gather [hbm4b:s1+s22], $0x40, s21, s22, $0xb8;
	[tilespmem:$0x1C000] =	vst v63  }
0x35: {  	s26 =	simm.s32 $0x2900;
	s15 =	simm.s32 $0x0  }
0x36: {  	[tilespmem:s28], [sflag:$0x3] =	stream.indirect.gather [hbm4b:s1+s22], $0x40, s26, s22, $0xb8;
	[tilespmem:$0x1C000] =	vst v63  }
.LBB2_3:
0x37: {  	[spmem:s4] =	stream.indirect.scatter.add.f32 [tilespmem:s18], [sflag:$0xC], $0x10, s7, s22, $0xb8;
	[tilespmem:$0x1C000] =	vst v63  }
.LBB2_5:
0x38: {  	_ =	swait.ge [sflag:s0], $0x2000  }
0x39: {  	[sflag:s0] =	ssyncset.done $0x0  }
0x3a: {  	s7 =	sadd.s32 $0x2A80, s26;
	p1 =	por $0x0, $0x0;
	[sflag:s0] =	ssyncadd.s32 $0xFFFFE000  }
0x3b: {  	[tilespmem:s23], [sflag:$0x1] =	stream.indirect.gather [hbm4b:s1+s22], $0x40, s7, s22, $0xb8;
	[tilespmem:$0x1C000] =	vst v63  }
.LBB2_6:
0x3c: {  	_ =	swait.ge [sflag:s8], $0x2000  }
0x3d: {  	[sflag:s8] =	ssyncset.done $0x0  }
0x3e: {  	s7 =	sadd.s32 $0x100, s26;
	s21 =	simm.s32 @!p0 $0xD;
	[sflag:s8] =	ssyncadd.s32 $0xFFFFE000  }
0x3f: {  	[spmem:s3] =	stream.indirect.scatter.add.f32 [tilespmem:s28], [sflag:$0x8], $0x40, s7, s22, $0xb8;
	[tilespmem:$0x1C000] =	vst v63  }
0x40: {  	_ =	swait.ge @!p0 [sflag:s21], $0x800  }
0x41: {  	[sflag:s21] =	ssyncset.done @!p0 $0x0  }
0x42: {  	[sflag:s21] =	ssyncadd.s32 @!p0 $0xFFFFF800  }
0x43: {  	[spmem:s4] =	stream.indirect.scatter.add.f32 [tilespmem:s18], [sflag:$0xD], $0x10, s7, s22, $0xb8;
	[tilespmem:$0x1C000] =	vst v63  }
0x44: {  	s7 =	simm.s32 @!p1 $0x7  }
0x45: {  	_ =	swait.ge @!p1 [sflag:s7], $0x2000  }
0x46: {  	[sflag:s7] =	ssyncset.done @!p1 $0x0  }
0x47: {  	[sflag:s7] =	ssyncadd.s32 @!p1 $0xFFFFE000;
	s7 =	sshra.s32 @!p1 s15, $0x2  }
0x48: {  	s20 =	simm.s32 @!p1 $0x80;
	s19 =	simm.s32 @!p1 $0x7000;
	s21 =	sadd.s32 @!p1 $0x2B00, s7  }
0x49: {  	[tilespmem:s19], [sflag:$0x2] =	stream.indirect.gather @!p1 [hbm4b:s1+s20], $0x40, s21, s20, $0xb8;
	[tilespmem:$0x1C000] =	vst v63  }
0x4a: {  	_ =	swait.ge [sflag:s9], $0x2000  }
0x4b: {  	[sflag:s9] =	ssyncset.done $0x0  }
0x4c: {  	s26 =	sadd.s32 $0x180, s26;
	s21 =	simm.s32 @!p0 $0xE;
	[sflag:s9] =	ssyncadd.s32 $0xFFFFE000  }
0x4d: {  	[spmem:s3] =	stream.indirect.scatter.add.f32 [tilespmem:s29], [sflag:$0x9], $0x40, s26, s22, $0xb8;
	[tilespmem:$0x1C000] =	vst v63  }
0x4e: {  	_ =	swait.ge @!p0 [sflag:s21], $0x800  }
0x4f: {  	[sflag:s21] =	ssyncset.done @!p0 $0x0  }
0x50: {  	s19 =	simm.s32 @!p1 $0x8;
	[sflag:s21] =	ssyncadd.s32 @!p0 $0xFFFFF800  }
0x51: {  	[spmem:s4] =	stream.indirect.scatter.add.f32 [tilespmem:s18], [sflag:$0xE], $0x10, s26, s22, $0xb8;
	[tilespmem:$0x1C000] =	vst v63  }
0x52: {  	_ =	swait.ge @!p1 [sflag:s19], $0x2000  }
0x53: {  	[sflag:s19] =	ssyncset.done @!p1 $0x0  }
0x54: {  	s7 =	sadd.s32 @!p1 $0x2B80, s7;
	[sflag:s19] =	ssyncadd.s32 @!p1 $0xFFFFE000;
	s19 =	simm.s32 @!p1 $0x9000  }
0x55: {  	[tilespmem:s19], [sflag:$0x3] =	stream.indirect.gather @!p1 [hbm4b:s1+s20], $0x40, s7, s20, $0xb8;
	[tilespmem:$0x1C000] =	vst v63  }
0x56: {  	_ =	swait.ge [sflag:s10], $0x2000  }
0x57: {  	[sflag:s10] =	ssyncset.done $0x0  }
0x58: {  	s7 =	simm.s32 @!p0 $0xF;
	[sflag:s10] =	ssyncadd.s32 $0xFFFFE000  }
0x59: {  	[spmem:s3] =	stream.indirect.scatter.add.f32 [tilespmem:s31], [sflag:$0xA], $0x40, s17, s22, $0xb8;
	[tilespmem:$0x1C000] =	vst v63  }
0x5a: {  	_ =	swait.ge @!p0 [sflag:s7], $0x800  }
0x5b: {  	s15 =	sadd.s32 $0xA00, s15;
	[sflag:s7] =	ssyncset.done @!p0 $0x0  }
0x5c: {  	[sflag:s7] =	ssyncadd.s32 @!p0 $0xFFFFF800;
	p0 =	sne.s32 s15, $0xA000  }
.Ltmp1:
0x5d: {  	_ = 	snop;
	(pc) =	sbr.rel @!p0 .LBB2_7-.Ltmp1, $2  }
0x5e: {  	_ =	sdelay $0x2  }
0x5f: {  	[spmem:s4] =	stream.indirect.scatter.add.f32 [tilespmem:s18], [sflag:$0xF], $0x10, s17, s22, $0xb8;
	[tilespmem:$0x1C000] =	vst v63  }
.LBB2_2:
0x60: {  	p0 =	seq.s32 s15, $0x0  }
0x61: {  	s7 =	simm.s32 @!p0 $0x9  }
0x62: {  	_ =	swait.ge @!p0 [sflag:s7], $0x2000  }
0x63: {  	s26 =	sshra.s32 s15, $0x2;
	[sflag:s7] =	ssyncset.done @!p0 $0x0  }
0x64: {  	s21 =	sadd.s32 $0x2980, s26;
	[sflag:s7] =	ssyncadd.s32 @!p0 $0xFFFFE000  }
0x65: {  	[tilespmem:s29], [sflag:$0x4] =	stream.indirect.gather [hbm4b:s1+s22], $0x40, s21, s22, $0xb8;
	[tilespmem:$0x1C000] =	vst v63  }
0x66: {  	_ =	swait.ge [sflag:s30], $0x2000  }
0x67: {  	p1 =	sne.s32 s15, $0x0;
	[sflag:s30] =	ssyncset.done $0x0  }
0x68: {  	s7 =	simm.s32 @p1 $0xB;
	[sflag:s30] =	ssyncadd.s32 $0xFFFFE000  }
0x69: {  	[spmem:s3] =	stream.indirect.scatter.add.f32 [tilespmem:s23], [sflag:$0x6], $0x40, s26, s22, $0xb8;
	[tilespmem:$0x1C000] =	vst v63  }
0x6a: {  	_ =	swait.ge @p1 [sflag:s7], $0x800  }
0x6b: {  	[sflag:s7] =	ssyncset.done @p1 $0x0  }
0x6c: {  	s17 =	simm.s32 @p1 $0xF000;
	[sflag:s7] =	ssyncadd.s32 @p1 $0xFFFFF800;
	s7 =	simm.s32 @p1 $0x80  }
0x6d: {  	[spmem:s4] =	stream.indirect.scatter.add.f32 @p1 [tilespmem:s17], [sflag:$0xB], $0x10, s26, s7, $0xb8;
	[tilespmem:$0x1C000] =	vst v63  }
0x6e: {  	s7 =	simm.s32 @p1 $0xA  }
0x6f: {  	_ =	swait.ge @p1 [sflag:s7], $0x2000  }
0x70: {  	s21 =	simm.s32 @!p1 $0xF000;
	[sflag:s7] =	ssyncset.done @p1 $0x0  }
0x71: {  	s17 =	simm.s32 @!p1 $0x80;
	[sflag:s7] =	ssyncadd.s32 @p1 $0xFFFFE000;
	s7 =	sadd.s32 @p1 $0x800, s15  }
0x72: {  	[spmem:s4] =	stream.indirect.scatter.add.f32 @!p1 [tilespmem:s21], [sflag:$0xB], $0x10, s26, s17, $0xb8;
	[tilespmem:$0x1C000] =	vst v63  }
0x73: {  	s7 =	simm.s32 @!p1 $0x800  }
0x74: {  	s17 =	sshra.s32 s7, $0x2  }
0x75: {  	s7 =	sadd.s32 $0x2800, s17  }
0x76: {  	[tilespmem:s31], [sflag:$0x5] =	stream.indirect.gather [hbm4b:s1+s22], $0x40, s7, s22, $0xb8;
	[tilespmem:$0x1C000] =	vst v63  }
.Ltmp2:
0x77: {  	_ = 	snop;
	(pc) =	sbr.rel @!p1 .LBB2_3-.Ltmp2, $4  }
0x78: {  	_ =	swait.ge [sflag:s2], $0x2000  }
0x79: {  	[sflag:s2] =	ssyncset.done $0x0  }
0x7a: {  	s7 =	sadd.s32 $0x80, s26;
	[sflag:s2] =	ssyncadd.s32 $0xFFFFE000  }
0x7b: {  	[spmem:s3] =	stream.indirect.scatter.add.f32 [tilespmem:s25], [sflag:$0x7], $0x40, s7, s22, $0xb8;
	[tilespmem:$0x1C000] =	vst v63  }
0x7c: {  	p2 =	seq.s32 s15, $0x9600  }
.Ltmp3:
0x7d: {  	_ = 	snop;
	(pc) =	sbr.rel @p2 .LBB2_6-.Ltmp3, $4  }
.Ltmp4:
0x7e: {  	_ =	swait.ge [sflag:s13], $0x800;
	(pc) =	sbr.rel @!p2 .LBB2_5-.Ltmp4, $4  }
0x7f: {  	[sflag:s13] =	ssyncset.done $0x0  }
0x80: {  	p1 =	por $0x1, $0x1;
	[sflag:s13] =	ssyncadd.s32 $0xFFFFF800  }
0x81: {  	[spmem:s4] =	stream.indirect.scatter.add.f32 [tilespmem:s18], [sflag:$0xC], $0x10, s7, s22, $0xb8;
	[tilespmem:$0x1C000] =	vst v63  }
0x82: {  	_ = 	snop  }
.LBB2_7:
0x83: {  	_ =	swait.ge [sflag:s0], $0x2000  }
0x84: {  	[sflag:s0] =	ssyncset.done $0x0  }
0x85: {  	s7 =	simm.s32 $0xB;
	[sflag:s0] =	ssyncadd.s32 $0xFFFFE000  }
0x86: {  	_ =	swait.ge [sflag:s7], $0x800  }
0x87: {  	[sflag:s7] =	ssyncset.done $0x0  }
0x88: {  	[sflag:s7] =	ssyncadd.s32 $0xFFFFF800  }
0x89: {  	_ =	swait.ge [sflag:s12], $0x2000  }
0x8a: {  	[sflag:s12] =	ssyncset.done $0x0  }
0x8b: {  	[sflag:s12] =	ssyncadd.s32 $0xFFFFE000  }
0x8c: {  	_ =	swait.ge [sflag:s13], $0x800  }
0x8d: {  	[sflag:s13] =	ssyncset.done $0x0  }
0x8e: {  	[sflag:s13] =	ssyncadd.s32 $0xFFFFF800  }
0x8f: {  	_ =	swait.ge [sflag:s14], $0x2000  }
0x90: {  	[sflag:s14] =	ssyncset.done $0x0  }
0x91: {  	s26 =	simm.s32 $0xD;
	[sflag:s14] =	ssyncadd.s32 $0xFFFFE000  }
0x92: {  	_ =	swait.ge [sflag:s26], $0x800  }
0x93: {  	[sflag:s26] =	ssyncset.done $0x0  }
0x94: {  	[sflag:s26] =	ssyncadd.s32 $0xFFFFF800  }
0x95: {  	_ =	swait.ge [sflag:s24], $0x2000  }
0x96: {  	[sflag:s24] =	ssyncset.done $0x0  }
0x97: {  	s15 =	simm.s32 $0xE;
	[sflag:s24] =	ssyncadd.s32 $0xFFFFE000  }
0x98: {  	_ =	swait.ge [sflag:s15], $0x800  }
0x99: {  	[sflag:s15] =	ssyncset.done $0x0  }
0x9a: {  	[sflag:s15] =	ssyncadd.s32 $0xFFFFF800  }
0x9b: {  	_ =	swait.ge [sflag:s5], $0x2000  }
0x9c: {  	[sflag:s5] =	ssyncset.done $0x0  }
0x9d: {  	s17 =	simm.s32 $0xF;
	[sflag:s5] =	ssyncadd.s32 $0xFFFFE000  }
0x9e: {  	_ =	swait.ge [sflag:s17], $0x800  }
0x9f: {  	[sflag:s17] =	ssyncset.done $0x0  }
0xa0: {  	[sflag:s17] =	ssyncadd.s32 $0xFFFFF800  }
0xa1: {  	[bflag:$0x0] =	sbarrier.arrive $0xFFFF  }
0xa2: {  	s19 =	rddreg [dreg:$0xa]  }
0xa3: {  	s20 =	rddreg [dreg:$0xe]  }
0xa4: {  	s21 =	rddreg [dreg:$0xf]  }
0xa5: {  	[hbm:s19], [sflag:s20] =	dma.local [spmem:s21], $0x1400  }
0xa6: {  	_ =	swait.ge [sflag:s16], $0x1400  }
0xa7: {  	[sflag:s16] =	ssyncset.done $0x0;
	s26 =	rddreg [dreg:$0xb]  }
0xa8: {  	s15 =	rddreg [dreg:$0x10];
	[sflag:s16] =	ssyncadd.s32 $0xFFFFEC00  }
0xa9: {  	[hbm:s26], [sflag:s20] =	dma.local [spmem:s15], $0x500  }
0xaa: {  	_ =	swait.ge [sflag:s16], $0x500  }
0xab: {  	[sflag:s16] =	ssyncset.done $0x0  }
0xac: {  	[sflag:s16] =	ssyncadd.s32 $0xFFFFFB00  }
0xad: {  	[bflag:$0x0] =	sbarrier.arrive $0xFFFF  }
0xae: {  	s17 =	rddreg [dreg:$0x5]  }
0xaf: {  	[spmem:s21], [sflag:s20] =	dma.local [hbm:s17], $0x1400  }
0xb0: {  	_ =	swait.ge [sflag:s16], $0x1400  }
0xb1: {  	[sflag:s16] =	ssyncset.done $0x0  }
0xb2: {  	[sflag:s16] =	ssyncadd.s32 $0xFFFFEC00  }
0xb3: {  	s19 =	simm.s32 $0x2800;
	[bflag:$0x0] =	sbarrier.arrive $0xFFFF  }
0xb4: {  	[tilespmem:s23], [sflag:$0x1] =	stream.indirect.gather [hbm4b:s6+s22], $0x40, s19, s22, $0xb8;
	[tilespmem:$0x1C000] =	vst v63  }
0xb5: {  	s15 =	simm.s32 $0x2880  }
0xb6: {  	[tilespmem:s25], [sflag:$0x2] =	stream.indirect.gather [hbm4b:s6+s22], $0x40, s15, s22, $0xb8;
	[tilespmem:$0x1C000] =	vst v63  }
0xb7: {  	s26 =	simm.s32 $0x2900  }
0xb8: {  	[tilespmem:s28], [sflag:$0x3] =	stream.indirect.gather [hbm4b:s6+s22], $0x40, s26, s22, $0xb8;
	[tilespmem:$0x1C000] =	vst v63  }
0xb9: {  	s15 =	simm.s32 $0x2980  }
0xba: {  	[tilespmem:s29], [sflag:$0x4] =	stream.indirect.gather [hbm4b:s6+s22], $0x40, s15, s22, $0xb8;
	[tilespmem:$0x1C000] =	vst v63  }
0xbb: {  	_ =	swait.ge [sflag:s30], $0x2000  }
0xbc: {  	[sflag:s30] =	ssyncset.done $0x0  }
0xbd: {  	s26 =	simm.s32 $0x0;
	[sflag:s30] =	ssyncadd.s32 $0xFFFFE000  }
0xbe: {  	[spmem:s3] =	stream.indirect.scatter.add.f32 [tilespmem:s23], [sflag:$0x6], $0x40, s26, s22, $0xb8;
	[tilespmem:$0x1C000] =	vst v63  }
0xbf: {  	s15 =	simm.s32 $0x2A00  }
0xc0: {  	[tilespmem:s31], [sflag:$0x5] =	stream.indirect.gather [hbm4b:s6+s22], $0x40, s15, s22, $0xb8;
	[tilespmem:$0x1C000] =	vst v63  }
0xc1: {  	_ =	swait.ge [sflag:s2], $0x2000  }
0xc2: {  	[sflag:s2] =	ssyncset.done $0x0  }
0xc3: {  	[sflag:s2] =	ssyncadd.s32 $0xFFFFE000  }
0xc4: {  	[spmem:s3] =	stream.indirect.scatter.add.f32 [tilespmem:s25], [sflag:$0x7], $0x40, s22, s22, $0xb8;
	[tilespmem:$0x1C000] =	vst v63  }
0xc5: {  	_ =	swait.ge [sflag:s0], $0x2000  }
0xc6: {  	[sflag:s0] =	ssyncset.done $0x0  }
0xc7: {  	s26 =	simm.s32 $0x2A80;
	[sflag:s0] =	ssyncadd.s32 $0xFFFFE000  }
0xc8: {  	[tilespmem:s23], [sflag:$0x1] =	stream.indirect.gather [hbm4b:s6+s22], $0x40, s26, s22, $0xb8;
	[tilespmem:$0x1C000] =	vst v63  }
0xc9: {  	_ =	swait.ge [sflag:s8], $0x2000  }
0xca: {  	[sflag:s8] =	ssyncset.done $0x0  }
0xcb: {  	s15 =	simm.s32 $0x100;
	[sflag:s8] =	ssyncadd.s32 $0xFFFFE000  }
0xcc: {  	[spmem:s3] =	stream.indirect.scatter.add.f32 [tilespmem:s28], [sflag:$0x8], $0x40, s15, s22, $0xb8;
	[tilespmem:$0x1C000] =	vst v63  }
0xcd: {  	_ =	swait.ge [sflag:s12], $0x2000  }
0xce: {  	[sflag:s12] =	ssyncset.done $0x0  }
0xcf: {  	s26 =	simm.s32 $0x2B00;
	[sflag:s12] =	ssyncadd.s32 $0xFFFFE000  }
0xd0: {  	[tilespmem:s25], [sflag:$0x2] =	stream.indirect.gather [hbm4b:s6+s22], $0x40, s26, s22, $0xb8;
	[tilespmem:$0x1C000] =	vst v63  }
0xd1: {  	_ =	swait.ge [sflag:s9], $0x2000  }
0xd2: {  	[sflag:s9] =	ssyncset.done $0x0  }
0xd3: {  	s15 =	simm.s32 $0x180;
	[sflag:s9] =	ssyncadd.s32 $0xFFFFE000  }
0xd4: {  	[spmem:s3] =	stream.indirect.scatter.add.f32 [tilespmem:s29], [sflag:$0x9], $0x40, s15, s22, $0xb8;
	[tilespmem:$0x1C000] =	vst v63  }
0xd5: {  	_ =	swait.ge [sflag:s14], $0x2000  }
0xd6: {  	[sflag:s14] =	ssyncset.done $0x0  }
0xd7: {  	s26 =	simm.s32 $0x2B80;
	[sflag:s14] =	ssyncadd.s32 $0xFFFFE000  }
0xd8: {  	[tilespmem:s28], [sflag:$0x3] =	stream.indirect.gather [hbm4b:s6+s22], $0x40, s26, s22, $0xb8;
	[tilespmem:$0x1C000] =	vst v63  }
0xd9: {  	_ =	swait.ge [sflag:s10], $0x2000  }
0xda: {  	[sflag:s10] =	ssyncset.done $0x0  }
0xdb: {  	s15 =	simm.s32 $0x200;
	[sflag:s10] =	ssyncadd.s32 $0xFFFFE000  }
0xdc: {  	[spmem:s3] =	stream.indirect.scatter.add.f32 [tilespmem:s31], [sflag:$0xA], $0x40, s15, s22, $0xb8;
	[tilespmem:$0x1C000] =	vst v63  }
0xdd: {  	_ =	swait.ge [sflag:s24], $0x2000  }
0xde: {  	[sflag:s24] =	ssyncset.done $0x0  }
0xdf: {  	s26 =	simm.s32 $0x2C00;
	[sflag:s24] =	ssyncadd.s32 $0xFFFFE000  }
0xe0: {  	[tilespmem:s29], [sflag:$0x4] =	stream.indirect.gather [hbm4b:s6+s22], $0x40, s26, s22, $0xb8;
	[tilespmem:$0x1C000] =	vst v63  }
0xe1: {  	_ =	swait.ge [sflag:s30], $0x2000  }
0xe2: {  	[sflag:s30] =	ssyncset.done $0x0  }
0xe3: {  	s15 =	simm.s32 $0x280;
	[sflag:s30] =	ssyncadd.s32 $0xFFFFE000  }
0xe4: {  	[spmem:s3] =	stream.indirect.scatter.add.f32 [tilespmem:s23], [sflag:$0x6], $0x40, s15, s22, $0xb8;
	[tilespmem:$0x1C000] =	vst v63  }
0xe5: {  	_ =	swait.ge [sflag:s5], $0x2000  }
0xe6: {  	[sflag:s5] =	ssyncset.done $0x0  }
0xe7: {  	s26 =	simm.s32 $0x2C80;
	[sflag:s5] =	ssyncadd.s32 $0xFFFFE000  }
0xe8: {  	[tilespmem:s31], [sflag:$0x5] =	stream.indirect.gather [hbm4b:s6+s22], $0x40, s26, s22, $0xb8;
	[tilespmem:$0x1C000] =	vst v63  }
0xe9: {  	_ =	swait.ge [sflag:s2], $0x2000  }
0xea: {  	[sflag:s2] =	ssyncset.done $0x0  }
0xeb: {  	s15 =	simm.s32 $0x300;
	[sflag:s2] =	ssyncadd.s32 $0xFFFFE000  }
0xec: {  	[spmem:s3] =	stream.indirect.scatter.add.f32 [tilespmem:s25], [sflag:$0x7], $0x40, s15, s22, $0xb8;
	[tilespmem:$0x1C000] =	vst v63  }
0xed: {  	_ =	swait.ge [sflag:s0], $0x2000  }
0xee: {  	[sflag:s0] =	ssyncset.done $0x0  }
0xef: {  	s26 =	simm.s32 $0x2D00;
	[sflag:s0] =	ssyncadd.s32 $0xFFFFE000  }
0xf0: {  	[tilespmem:s23], [sflag:$0x1] =	stream.indirect.gather [hbm4b:s6+s22], $0x40, s26, s22, $0xb8;
	[tilespmem:$0x1C000] =	vst v63  }
0xf1: {  	_ =	swait.ge [sflag:s8], $0x2000  }
0xf2: {  	[sflag:s8] =	ssyncset.done $0x0  }
0xf3: {  	s15 =	simm.s32 $0x380;
	[sflag:s8] =	ssyncadd.s32 $0xFFFFE000  }
0xf4: {  	[spmem:s3] =	stream.indirect.scatter.add.f32 [tilespmem:s28], [sflag:$0x8], $0x40, s15, s22, $0xb8;
	[tilespmem:$0x1C000] =	vst v63  }
0xf5: {  	_ =	swait.ge [sflag:s12], $0x2000  }
0xf6: {  	[sflag:s12] =	ssyncset.done $0x0  }
0xf7: {  	s26 =	simm.s32 $0x2D80;
	[sflag:s12] =	ssyncadd.s32 $0xFFFFE000  }
0xf8: {  	[tilespmem:s25], [sflag:$0x2] =	stream.indirect.gather [hbm4b:s6+s22], $0x40, s26, s22, $0xb8;
	[tilespmem:$0x1C000] =	vst v63  }
0xf9: {  	_ =	swait.ge [sflag:s9], $0x2000  }
0xfa: {  	[sflag:s9] =	ssyncset.done $0x0  }
0xfb: {  	s15 =	simm.s32 $0x400;
	[sflag:s9] =	ssyncadd.s32 $0xFFFFE000  }
0xfc: {  	[spmem:s3] =	stream.indirect.scatter.add.f32 [tilespmem:s29], [sflag:$0x9], $0x40, s15, s22, $0xb8;
	[tilespmem:$0x1C000] =	vst v63  }
0xfd: {  	_ =	swait.ge [sflag:s14], $0x2000  }
0xfe: {  	[sflag:s14] =	ssyncset.done $0x0  }
0xff: {  	s26 =	simm.s32 $0x2E00;
	[sflag:s14] =	ssyncadd.s32 $0xFFFFE000  }
0x100: {  	[tilespmem:s28], [sflag:$0x3] =	stream.indirect.gather [hbm4b:s6+s22], $0x40, s26, s22, $0xb8;
	[tilespmem:$0x1C000] =	vst v63  }
0x101: {  	_ =	swait.ge [sflag:s10], $0x2000  }
0x102: {  	[sflag:s10] =	ssyncset.done $0x0  }
0x103: {  	s7 =	simm.s32 $0x480;
	s15 =	simm.s32 $0xA00;
	[sflag:s10] =	ssyncadd.s32 $0xFFFFE000  }
.LBB2_8:
0x104: {  	[spmem:s3] =	stream.indirect.scatter.add.f32 [tilespmem:s31], [sflag:$0xA], $0x40, s7, s22, $0xb8;
	[tilespmem:$0x1C000] =	vst v63  }
0x105: {  	s7 =	smov.u32 s15;
	s15 =	sadd.s32 $0xA00, s15;
	_ =	swait.ge [sflag:s24], $0x2000  }
0x106: {  	s26 =	sshra.s32 s7, $0x2;
	p0 =	sne.s32 s15, $0x8C00;
	[sflag:s24] =	ssyncset.done $0x0  }
0x107: {  	s7 =	sadd.s32 $0x2C00, s26;
	[sflag:s24] =	ssyncadd.s32 $0xFFFFE000  }
0x108: {  	[tilespmem:s29], [sflag:$0x4] =	stream.indirect.gather [hbm4b:s6+s22], $0x40, s7, s22, $0xb8;
	[tilespmem:$0x1C000] =	vst v63  }
0x109: {  	_ =	swait.ge [sflag:s30], $0x2000  }
0x10a: {  	[sflag:s30] =	ssyncset.done $0x0  }
0x10b: {  	s7 =	sadd.s32 $0x280, s26;
	[sflag:s30] =	ssyncadd.s32 $0xFFFFE000  }
0x10c: {  	[spmem:s3] =	stream.indirect.scatter.add.f32 [tilespmem:s23], [sflag:$0x6], $0x40, s7, s22, $0xb8;
	[tilespmem:$0x1C000] =	vst v63  }
0x10d: {  	_ =	swait.ge [sflag:s5], $0x2000  }
0x10e: {  	[sflag:s5] =	ssyncset.done $0x0  }
0x10f: {  	s7 =	sadd.s32 $0x2C80, s26;
	[sflag:s5] =	ssyncadd.s32 $0xFFFFE000  }
0x110: {  	[tilespmem:s31], [sflag:$0x5] =	stream.indirect.gather [hbm4b:s6+s22], $0x40, s7, s22, $0xb8;
	[tilespmem:$0x1C000] =	vst v63  }
0x111: {  	_ =	swait.ge [sflag:s2], $0x2000  }
0x112: {  	[sflag:s2] =	ssyncset.done $0x0  }
0x113: {  	s7 =	sadd.s32 $0x300, s26;
	[sflag:s2] =	ssyncadd.s32 $0xFFFFE000  }
0x114: {  	[spmem:s3] =	stream.indirect.scatter.add.f32 [tilespmem:s25], [sflag:$0x7], $0x40, s7, s22, $0xb8;
	[tilespmem:$0x1C000] =	vst v63  }
0x115: {  	_ =	swait.ge [sflag:s0], $0x2000  }
0x116: {  	[sflag:s0] =	ssyncset.done $0x0  }
0x117: {  	s7 =	sadd.s32 $0x2D00, s26;
	[sflag:s0] =	ssyncadd.s32 $0xFFFFE000  }
0x118: {  	[tilespmem:s23], [sflag:$0x1] =	stream.indirect.gather [hbm4b:s6+s22], $0x40, s7, s22, $0xb8;
	[tilespmem:$0x1C000] =	vst v63  }
0x119: {  	_ =	swait.ge [sflag:s8], $0x2000  }
0x11a: {  	[sflag:s8] =	ssyncset.done $0x0  }
0x11b: {  	s7 =	sadd.s32 $0x380, s26;
	[sflag:s8] =	ssyncadd.s32 $0xFFFFE000  }
0x11c: {  	[spmem:s3] =	stream.indirect.scatter.add.f32 [tilespmem:s28], [sflag:$0x8], $0x40, s7, s22, $0xb8;
	[tilespmem:$0x1C000] =	vst v63  }
0x11d: {  	_ =	swait.ge [sflag:s12], $0x2000  }
0x11e: {  	[sflag:s12] =	ssyncset.done $0x0  }
0x11f: {  	s7 =	sadd.s32 $0x2D80, s26;
	[sflag:s12] =	ssyncadd.s32 $0xFFFFE000  }
0x120: {  	[tilespmem:s25], [sflag:$0x2] =	stream.indirect.gather [hbm4b:s6+s22], $0x40, s7, s22, $0xb8;
	[tilespmem:$0x1C000] =	vst v63  }
0x121: {  	_ =	swait.ge [sflag:s9], $0x2000  }
0x122: {  	[sflag:s9] =	ssyncset.done $0x0  }
0x123: {  	s7 =	sadd.s32 $0x400, s26;
	[sflag:s9] =	ssyncadd.s32 $0xFFFFE000  }
0x124: {  	[spmem:s3] =	stream.indirect.scatter.add.f32 [tilespmem:s29], [sflag:$0x9], $0x40, s7, s22, $0xb8;
	[tilespmem:$0x1C000] =	vst v63  }
0x125: {  	_ =	swait.ge [sflag:s14], $0x2000  }
0x126: {  	[sflag:s14] =	ssyncset.done $0x0  }
.Ltmp5:
0x127: {  	s7 =	sadd.s32 $0x2E00, s26;
	[sflag:s14] =	ssyncadd.s32 $0xFFFFE000;
	(pc) =	sbr.rel @p0 .LBB2_8-.Ltmp5, $4  }
0x128: {  	[tilespmem:s28], [sflag:$0x3] =	stream.indirect.gather [hbm4b:s6+s22], $0x40, s7, s22, $0xb8;
	[tilespmem:$0x1C000] =	vst v63  }
0x129: {  	_ =	swait.ge [sflag:s10], $0x2000  }
0x12a: {  	[sflag:s10] =	ssyncset.done $0x0  }
0x12b: {  	s7 =	sadd.s32 $0x480, s26;
	[sflag:s10] =	ssyncadd.s32 $0xFFFFE000  }
0x12c: {  	[spmem:s3] =	stream.indirect.scatter.add.f32 [tilespmem:s31], [sflag:$0xA], $0x40, s7, s22, $0xb8;
	[tilespmem:$0x1C000] =	vst v63  }
0x12d: {  	_ =	swait.ge [sflag:s24], $0x2000  }
0x12e: {  	s7 =	sshra.s32 s15, $0x2;
	[sflag:s24] =	ssyncset.done $0x0  }
0x12f: {  	s15 =	sadd.s32 $0x2C00, s7;
	[sflag:s24] =	ssyncadd.s32 $0xFFFFE000  }
0x130: {  	[tilespmem:s29], [sflag:$0x4] =	stream.indirect.gather [hbm4b:s6+s22], $0x40, s15, s22, $0xb8;
	[tilespmem:$0x1C000] =	vst v63  }
0x131: {  	_ =	swait.ge [sflag:s30], $0x2000  }
0x132: {  	[sflag:s30] =	ssyncset.done $0x0  }
0x133: {  	s26 =	sadd.s32 $0x280, s7;
	[sflag:s30] =	ssyncadd.s32 $0xFFFFE000  }
0x134: {  	[spmem:s3] =	stream.indirect.scatter.add.f32 [tilespmem:s23], [sflag:$0x6], $0x40, s26, s22, $0xb8;
	[tilespmem:$0x1C000] =	vst v63  }
0x135: {  	_ =	swait.ge [sflag:s5], $0x2000  }
0x136: {  	[sflag:s5] =	ssyncset.done $0x0  }
0x137: {  	s26 =	simm.s32 $0x4F80;
	[sflag:s5] =	ssyncadd.s32 $0xFFFFE000  }
0x138: {  	[tilespmem:s31], [sflag:$0x5] =	stream.indirect.gather [hbm4b:s6+s22], $0x40, s26, s22, $0xb8;
	[tilespmem:$0x1C000] =	vst v63  }
0x139: {  	_ =	swait.ge [sflag:s2], $0x2000  }
0x13a: {  	[sflag:s2] =	ssyncset.done $0x0  }
0x13b: {  	s26 =	sadd.s32 $0x300, s7;
	[sflag:s2] =	ssyncadd.s32 $0xFFFFE000  }
0x13c: {  	[spmem:s3] =	stream.indirect.scatter.add.f32 [tilespmem:s25], [sflag:$0x7], $0x40, s26, s22, $0xb8;
	[tilespmem:$0x1C000] =	vst v63  }
0x13d: {  	_ =	swait.ge [sflag:s8], $0x2000  }
0x13e: {  	[sflag:s8] =	ssyncset.done $0x0  }
0x13f: {  	s26 =	sadd.s32 $0x380, s7;
	[sflag:s8] =	ssyncadd.s32 $0xFFFFE000  }
0x140: {  	[spmem:s3] =	stream.indirect.scatter.add.f32 [tilespmem:s28], [sflag:$0x8], $0x40, s26, s22, $0xb8;
	[tilespmem:$0x1C000] =	vst v63  }
0x141: {  	_ =	swait.ge [sflag:s9], $0x2000  }
0x142: {  	[sflag:s9] =	ssyncset.done $0x0  }
0x143: {  	s7 =	sadd.s32 $0x400, s7;
	[sflag:s9] =	ssyncadd.s32 $0xFFFFE000  }
0x144: {  	[spmem:s3] =	stream.indirect.scatter.add.f32 [tilespmem:s29], [sflag:$0x9], $0x40, s7, s22, $0xb8;
	[tilespmem:$0x1C000] =	vst v63  }
0x145: {  	_ =	swait.ge [sflag:s10], $0x2000  }
0x146: {  	[sflag:s10] =	ssyncset.done $0x0  }
0x147: {  	s26 =	simm.s32 $0x2780;
	[sflag:s10] =	ssyncadd.s32 $0xFFFFE000  }
0x148: {  	[spmem:s3] =	stream.indirect.scatter.add.f32 [tilespmem:s31], [sflag:$0xA], $0x40, s26, s22, $0xb8;
	[tilespmem:$0x1C000] =	vst v63  }
0x149: {  	_ =	swait.ge [sflag:s0], $0x2000  }
0x14a: {  	[sflag:s0] =	ssyncset.done $0x0  }
0x14b: {  	[sflag:s0] =	ssyncadd.s32 $0xFFFFE000  }
0x14c: {  	_ =	swait.ge [sflag:s12], $0x2000  }
0x14d: {  	[sflag:s12] =	ssyncset.done $0x0  }
0x14e: {  	[sflag:s12] =	ssyncadd.s32 $0xFFFFE000  }
0x14f: {  	_ =	swait.ge [sflag:s14], $0x2000  }
0x150: {  	[sflag:s14] =	ssyncset.done $0x0  }
0x151: {  	[sflag:s14] =	ssyncadd.s32 $0xFFFFE000  }
0x152: {  	_ =	swait.ge [sflag:s24], $0x2000  }
0x153: {  	[sflag:s24] =	ssyncset.done $0x0  }
0x154: {  	[sflag:s24] =	ssyncadd.s32 $0xFFFFE000  }
0x155: {  	_ =	swait.ge [sflag:s5], $0x2000  }
0x156: {  	[sflag:s5] =	ssyncset.done $0x0  }
0x157: {  	[sflag:s5] =	ssyncadd.s32 $0xFFFFE000  }
0x158: {  	[bflag:$0x0] =	sbarrier.arrive $0xFFFF  }
0x159: {  	s15 =	rddreg [dreg:$0xc]  }
0x15a: {  	[hbm:s15], [sflag:s20] =	dma.local [spmem:s21], $0x1400  }
0x15b: {  	_ =	swait.ge [sflag:s16], $0x1400  }
0x15c: {  	s11 =	sadd.s32 $0x1, s11;
	s26 =	rddreg [dreg:$0xd]  }
0x15d: {  	p0 =	sne.s32 s11, s26  }
.Ltmp6:
0x15e: {  	_ = 	snop;
	(pc) =	sbr.rel @p0 .LBB2_1-.Ltmp6, $3  }
0x15f: {  	_ =	sdelay $0x1  }
0x160: {  	[sflag:s16] =	ssyncset.done $0x0  }
0x161: {  	[sflag:s16] =	ssyncadd.s32 $0xFFFFEC00  }
0x162: {  	_ =	sfence.sel $0x180000  }
0x163: {  	[bflag:$0x0] =	sbarrier.arrive $0xFFFF  }
0x164: {  	_ =	strace $0x90000047  }
0x165: {  	s0 =	stileid.u32;
	[bflag:$0x2] =	sbarrier.arrive $0xFFFF  }
0x166: {  	p0 =	sne.s32 s0, $0x0;
	s0 =	rddreg [dreg:$0x4]  }
0x167: {  	s0 =	sadd.s32 @!p0 $0x100000, s0  }
0x168: {  	[sflag:s0] =	ssyncadd.tile.s32 @!p0 $0x1;
	_ =	shalt  }
.Lfunc_end2:
_tile_overlayer_lowered:
.L_overlay_start_2:
0x169: {  	(tag) =	ssettag $0x2  }
0x16a: {  	s0 =	rddreg [dreg:$0x0];
	s2 =	stileid.u32  }
0x16b: {  	s1 =	rddreg [dreg:$0x1];
	p0 =	sne.s32 s2, $0x0  }
0x16c: {  	s3 =	rddreg [dreg:$0x2];
	[bflag:$0x3] =	sbarrier.arrive $0xFFFF;
	s2 =	simm.s32 @!p0 $0x1C10  }
0x16d: {  	[timem:s3], [sflag:s2] =	dma.local @!p0 [hbm:s0], s1  }
0x16e: {  	s0 =	simm.s32 @!p0 $0x10  }
0x16f: {  	_ =	swait.ge @!p0 [sflag:s0], s1  }
0x170: {  	s1 =	ssub.s32 @!p0 $0x0, s1;
	[sflag:s0] =	ssyncset.done @!p0 $0x0  }
0x171: {  	[sflag:s0] =	ssyncadd.s32 @!p0 s1  }
0x172: {  	[bflag:$0x3] =	sbarrier.arrive $0xFFFF  }
0x173: {  	_ =	shalt  }

</sc_bundles>
